<compile_context>
chip_gen: v7x
topology: tpu7x:2x2x1
jax: 0.10.2.dev20260603
libtpu: 0.0.44.dev20260713+nightly
codegen_flags: <defaults>
</compile_context>

<pallas_src>
import functools

import jax
import jax.numpy as jnp
from jax import lax
from jax.experimental import pallas as pl
from jax.experimental.pallas import tpu as pltpu
from jax.experimental.pallas import tpu_sc as plsc

N = 10000
D = 128
NC = 2
NS = 16
NW = NC * NS
E = 320000
EP = E // NW
CHUNK = 128
CHUNKS = 80
EPP = CHUNK * CHUNKS
NPAD = 10240
RPT = NPAD // NS
ROWBUF = 128


def _make_edge_scatter(with_deg):
  mesh = plsc.VectorSubcoreMesh(core_axis_name="c", subcore_axis_name="s")

  out_type = [jax.ShapeDtypeStruct((NC * NPAD, D), jnp.float32)]
  scratch = [
      pltpu.VMEM((CHUNKS, CHUNK), jnp.int32),
      pltpu.VMEM((CHUNKS, CHUNK), jnp.int32),
      pltpu.VMEM((CHUNK, D), jnp.float32),
      pltpu.VMEM_SHARED((NPAD, D), jnp.float32),
      pltpu.SemaphoreType.DMA,
  ]
  if with_deg:
    out_type.append(jax.ShapeDtypeStruct((NC * NPAD,), jnp.float32))
    scratch += [
        pltpu.VMEM_SHARED((NPAD,), jnp.float32),
        pltpu.VMEM((RPT,), jnp.float32),
        pltpu.VMEM((CHUNK,), jnp.float32),
    ]

  @functools.partial(pl.kernel, out_type=out_type, mesh=mesh,
                     scratch_types=scratch)
  def edge_scatter(table, srcp, dstp, *rest):
    if with_deg:
      out, deg_out, src_v, dst_v, rows_v, acc, sem, deg_sp, zbuf, ones_v = rest
    else:
      out, src_v, dst_v, rows_v, acc, sem = rest
    cid = lax.axis_index("c")
    sid = lax.axis_index("s")
    wid = sid * NC + cid

    z16 = jnp.zeros((16,), jnp.float32)

    def zrow(i, carry):
      for k in range(D // 16):
        rows_v[i, pl.ds(k * 16, 16)] = z16
      return carry

    lax.fori_loop(0, CHUNK, zrow, 0)
    for b in range(RPT // ROWBUF):
      pltpu.sync_copy(rows_v, acc.at[pl.ds(sid * RPT + b * ROWBUF, ROWBUF)])

    if with_deg:
      o16 = jnp.ones((16,), jnp.float32)

      def zdeg(i, carry):
        zbuf[pl.ds(i * 16, 16)] = z16
        return carry

      lax.fori_loop(0, RPT // 16, zdeg, 0)
      for k in range(CHUNK // 16):
        ones_v[pl.ds(k * 16, 16)] = o16
      pltpu.sync_copy(zbuf, deg_sp.at[pl.ds(sid * RPT, RPT)])

    pltpu.sync_copy(srcp.at[pl.ds(wid * CHUNKS, CHUNKS)], src_v)
    pltpu.sync_copy(dstp.at[pl.ds(wid * CHUNKS, CHUNKS)], dst_v)

    plsc.subcore_barrier()

    def body(j, carry):
      pltpu.async_copy(table.at[src_v.at[j]], rows_v, sem).wait()
      pltpu.sync_copy(rows_v, acc.at[dst_v.at[j]], add=True)
      if with_deg:
        pltpu.sync_copy(ones_v, deg_sp.at[dst_v.at[j]], add=True)
      return carry

    lax.fori_loop(0, CHUNKS, body, 0)

    plsc.subcore_barrier()

    pltpu.sync_copy(acc.at[pl.ds(sid * RPT, RPT)],
                    out.at[pl.ds(cid * NPAD + sid * RPT, RPT)])
    if with_deg:
      pltpu.sync_copy(deg_sp.at[pl.ds(sid * RPT, RPT)],
                      deg_out.at[pl.ds(cid * NPAD + sid * RPT, RPT)])

  return edge_scatter


_edge_scatter_deg = _make_edge_scatter(True)
_edge_scatter = _make_edge_scatter(False)


BN = 512
GRID = NPAD // BN


def _dense1_body(x_ref, wn_ref, ws_ref, b_ref, y_ref, s_ref):
  x = x_ref[...]
  y_ref[...] = jnp.dot(x, wn_ref[...], preferred_element_type=jnp.float32)
  s_ref[...] = (jnp.dot(x, ws_ref[...], preferred_element_type=jnp.float32)
                + b_ref[...])


def _dense1(x, wn, ws, b):
  return pl.pallas_call(
      _dense1_body,
      grid=(GRID,),
      in_specs=[
          pl.BlockSpec((BN, D), lambda i: (i, 0)),
          pl.BlockSpec((D, D), lambda i: (0, 0)),
          pl.BlockSpec((D, D), lambda i: (0, 0)),
          pl.BlockSpec((1, D), lambda i: (0, 0)),
      ],
      out_specs=[
          pl.BlockSpec((BN, D), lambda i: (i, 0)),
          pl.BlockSpec((BN, D), lambda i: (i, 0)),
      ],
      out_shape=[
          jax.ShapeDtypeStruct((NPAD, D), jnp.float32),
          jax.ShapeDtypeStruct((NPAD, D), jnp.float32),
      ],
  )(x, wn, ws, b)


def _dense2_body(pf_ref, pd_ref, s1_ref, wn_ref, ws_ref, b_ref, y_ref, s_ref):
  agg = pf_ref[0] + pf_ref[1]
  deg = jnp.maximum(pd_ref[0] + pd_ref[1], 1.0)
  h = jax.nn.sigmoid(s1_ref[...] + agg / deg)
  y_ref[...] = jnp.dot(h, wn_ref[...], preferred_element_type=jnp.float32)
  s_ref[...] = (jnp.dot(h, ws_ref[...], preferred_element_type=jnp.float32)
                + b_ref[...])


def _dense2(pf, pd, s1, wn, ws, b):
  return pl.pallas_call(
      _dense2_body,
      grid=(GRID,),
      in_specs=[
          pl.BlockSpec((NC, BN, D), lambda i: (0, i, 0)),
          pl.BlockSpec((NC, BN, 1), lambda i: (0, i, 0)),
          pl.BlockSpec((BN, D), lambda i: (i, 0)),
          pl.BlockSpec((D, D), lambda i: (0, 0)),
          pl.BlockSpec((D, D), lambda i: (0, 0)),
          pl.BlockSpec((1, D), lambda i: (0, 0)),
      ],
      out_specs=[
          pl.BlockSpec((BN, D), lambda i: (i, 0)),
          pl.BlockSpec((BN, D), lambda i: (i, 0)),
      ],
      out_shape=[
          jax.ShapeDtypeStruct((NPAD, D), jnp.float32),
          jax.ShapeDtypeStruct((NPAD, D), jnp.float32),
      ],
  )(pf, pd, s1, wn, ws, b)


def _readout_body(pf_ref, pd_ref, s2_ref, waw_ref, baw_ref,
                  wt1a_ref, wt1b_ref, bt1_ref, wt2_ref, bt2_ref, out_ref):
  agg = pf_ref[0] + pf_ref[1]
  deg = jnp.maximum(pd_ref[0] + pd_ref[1], 1.0)
  h = jax.nn.sigmoid(s2_ref[...] + agg / deg)
  valid = lax.broadcasted_iota(jnp.int32, (NPAD, 1), 0) < N
  wlog = jnp.sum(h * waw_ref[...], axis=1, keepdims=True) + baw_ref[0, 0]
  w = jnp.where(valid, jax.nn.sigmoid(wlog), 0.0)
  h_sum = jnp.sum(w * h, axis=0, keepdims=True)
  h_masked = jnp.where(valid, h, -jnp.inf)
  h_max = jnp.max(h_masked, axis=0, keepdims=True)
  t1 = jax.nn.sigmoid(
      jnp.dot(h_sum, wt1a_ref[...], preferred_element_type=jnp.float32)
      + jnp.dot(h_max, wt1b_ref[...], preferred_element_type=jnp.float32)
      + bt1_ref[...])
  out_ref[...] = jax.nn.sigmoid(
      jnp.sum(t1 * wt2_ref[...], axis=1, keepdims=True) + bt2_ref[...])


def _readout(pf, pd, s2, waw, baw, wt1a, wt1b, bt1, wt2, bt2):
  return pl.pallas_call(
      _readout_body,
      out_shape=jax.ShapeDtypeStruct((1, 1), jnp.float32),
  )(pf, pd, s2, waw, baw, wt1a, wt1b, bt1, wt2, bt2)


def kernel(n, edge_index, e, W_self1, W_neigh1, b1, W_self2, W_neigh2, b2,
           W_aw, b_aw, W_t1, b_t1, W_t2, b_t2):
  del e

  src = edge_index[0]
  dst = edge_index[1]
  pad = EPP - EP
  srcp = jnp.concatenate(
      [src.reshape(NW, EP), jnp.zeros((NW, pad), jnp.int32)], axis=1
  ).reshape(NW * CHUNKS, CHUNK)
  dstp = jnp.concatenate(
      [dst.reshape(NW, EP), jnp.full((NW, pad), N, jnp.int32)], axis=1
  ).reshape(NW * CHUNKS, CHUNK)

  n_pad = jnp.concatenate(
      [n, jnp.zeros((NPAD - N, D), jnp.float32)], axis=0)

  y1, s1 = _dense1(n_pad, W_neigh1, W_self1, b1.reshape(1, D))

  p1, deg = _edge_scatter_deg(y1, srcp, dstp)
  pf1 = p1.reshape(NC, NPAD, D)
  pd = deg.reshape(NC, NPAD, 1)

  y2, s2 = _dense2(pf1, pd, s1, W_neigh2, W_self2, b2.reshape(1, D))

  p2 = _edge_scatter(y2, srcp, dstp)[0]
  pf2 = p2.reshape(NC, NPAD, D)

  return _readout(pf2, pd, s2,
                  W_aw.T, b_aw.reshape(1, 1),
                  W_t1[:D], W_t1[D:], b_t1.reshape(1, D),
                  W_t2.T, b_t2.reshape(1, 1))

# --- scband reference (transcript-rebuilt; emitter-appended) ---
"""Pipeline reference for scband-sage-721554505786 (READ-ONLY COPY).

The authoritative reference and input builder live on the scoring server;
editing this copy changes nothing except your own understanding.
"""

import jax, jax.numpy as jnp
import numpy as np

N = 10000
E = 320000
D = 128
H = 128
T = 1
DE = 4


def setup_inputs(seed: int = 0) -> dict:
    key = jax.random.key(seed)
    ks = jax.random.split(key, 16)
    n = jax.random.normal(ks[0], (N, D), dtype=jnp.float32)
    edge_index = jax.random.randint(ks[1], (2, E), 0, N, dtype=jnp.int32)
    e = jax.random.normal(ks[2], (E, DE), dtype=jnp.float32)
    s1 = 1.0 / np.sqrt(D)
    s2 = 1.0 / np.sqrt(H)
    s3 = 1.0 / np.sqrt(2 * H)
    W_self1 = jax.random.uniform(ks[3], (D, H), jnp.float32, -s1, s1)
    W_neigh1 = jax.random.uniform(ks[4], (D, H), jnp.float32, -s1, s1)
    b1 = jnp.zeros((H,), jnp.float32)
    W_self2 = jax.random.uniform(ks[5], (H, H), jnp.float32, -s2, s2)
    W_neigh2 = jax.random.uniform(ks[6], (H, H), jnp.float32, -s2, s2)
    b2 = jnp.zeros((H,), jnp.float32)
    W_aw = jax.random.uniform(ks[7], (H, 1), jnp.float32, -s2, s2)
    b_aw = jnp.zeros((1,), jnp.float32)
    W_t1 = jax.random.uniform(ks[8], (2 * H, H), jnp.float32, -s3, s3)
    b_t1 = jnp.zeros((H,), jnp.float32)
    W_t2 = jax.random.uniform(ks[9], (H, T), jnp.float32, -s2, s2)
    b_t2 = jnp.zeros((T,), jnp.float32)
    return {"n": n, "edge_index": edge_index, "e": e,
            "W_self1": W_self1, "W_neigh1": W_neigh1, "b1": b1,
            "W_self2": W_self2, "W_neigh2": W_neigh2, "b2": b2,
            "W_aw": W_aw, "b_aw": b_aw,
            "W_t1": W_t1, "b_t1": b_t1, "W_t2": W_t2, "b_t2": b_t2}


def _sage_conv(x, src, dst, W_self, W_neigh, b, num_nodes):
    # DGL SAGEConv with mean aggregator: fc_self(h) + fc_neigh(mean_{j in N(i)} h_j)
    msgs = jnp.take(x, src, axis=0)
    agg = jax.ops.segment_sum(msgs, dst, num_segments=num_nodes)
    deg = jax.ops.segment_sum(jnp.ones((src.shape[0],), x.dtype), dst, num_segments=num_nodes)
    h_neigh = agg / jnp.clip(deg, 1.0, None)[:, None]
    h = x @ W_self + h_neigh @ W_neigh + b
    return jax.nn.sigmoid(h)


def reference(n, edge_index, e, W_self1, W_neigh1, b1, W_self2, W_neigh2, b2,
              W_aw, b_aw, W_t1, b_t1, W_t2, b_t2):
    src = edge_index[0]
    dst = edge_index[1]
    num_nodes = n.shape[0]
    # GraphSAGE stack (2 layers, sigmoid activation); edge features e are unused (matches torch forward)
    h = _sage_conv(n, src, dst, W_self1, W_neigh1, b1, num_nodes)
    h = _sage_conv(h, src, dst, W_self2, W_neigh2, b2, num_nodes)
    # WeightedSumAndMax readout over the (single) graph
    w = jax.nn.sigmoid(h @ W_aw + b_aw)  # [N, 1]
    h_sum = jnp.sum(w * h, axis=0)       # [H]
    h_max = jnp.max(h, axis=0)           # [H]
    g_emb = jnp.concatenate([h_sum, h_max])[None, :]  # [1, 2H]
    # task layers
    y = jax.nn.sigmoid(g_emb @ W_t1 + b_t1)
    y = jax.nn.sigmoid(y @ W_t2 + b_t2)
    return y

if __name__ == "__main__":
    import jax
    _d = setup_inputs()
    print(jax.jit(kernel)(*tuple(_d.values())))

</pallas_src>

<mosaic_0001>
#map = affine_map<(d0, d1) -> (0, 0)>
#map1 = affine_map<(d0, d1) -> (0)>
module attributes {stable_mosaic.version = 14 : i64} {
  func.func @edge_scatter(%arg0: i32, %arg1: i32, %arg2: memref<10240x128xf32, #tpu.memory_space<hbm>>, %arg3: memref<2560x128xi32, #tpu.memory_space<hbm>>, %arg4: memref<2560x128xi32, #tpu.memory_space<hbm>>, %arg5: memref<20480x128xf32, #tpu.memory_space<hbm>>, %arg6: memref<20480xf32, #tpu.memory_space<hbm>>, %arg7: memref<80x128xi32, #tpu.memory_space<vmem>>, %arg8: memref<80x128xi32, #tpu.memory_space<vmem>>, %arg9: memref<128x128xf32, #tpu.memory_space<vmem>>, %arg10: memref<10240x128xf32, #tpu.memory_space<vmem_shared>>, %arg11: memref<!tpu.dma_semaphore, #tpu.memory_space<semaphore_mem>>, %arg12: memref<10240xf32, #tpu.memory_space<vmem_shared>>, %arg13: memref<640xf32, #tpu.memory_space<vmem>>, %arg14: memref<128xf32, #tpu.memory_space<vmem>>) attributes {dimension_semantics = [#tpu.dimension_semantics<core_parallel>, #tpu.dimension_semantics<subcore_parallel>], iteration_bounds = array<i64: 2, 16>, scalar_prefetch = 0 : i64, scratch_operands = 8 : i64, tpu.core_type = #tpu.core_type<sc_vector_subcore>, window_params = [{transform_indices = #map}, {transform_indices = #map}, {transform_indices = #map}, {transform_indices = #map}, {transform_indices = #map1}]} {
    %mul3A = arith.constant 2 : i32
    %mul3A_0 = arith.muli %arg1, %mul3A : i32
    %add3A = arith.addi %mul3A_0, %arg0 : i32
    %broadcast_in_dim3A = arith.constant 0.000000e+00 : f32
    %broadcast_in_dim3A_1 = vector.broadcast %broadcast_in_dim3A : f32 to vector<16xf32>
    %scan3A = arith.constant 0 : i32
    %scan3A_2 = arith.constant 0 : i32
    %scan3A_3 = arith.constant 128 : i32
    %scan3A_4 = arith.addi %scan3A_2, %scan3A_3 : i32
    %scan3A_5 = arith.constant 1 : i32
    scf.for %scan3A_93 = %scan3A_2 to %scan3A_4 step %scan3A_5  : i32 {
      %swap3A_94 = arith.index_cast %scan3A_93 : i32 to index
      %swap3A_95 = arith.constant 0 : index
      %swap3A_96 = tpu.vector_load %arg9[%swap3A_94, %swap3A_95] {strides = array<i32>} : memref<128x128xf32, #tpu.memory_space<vmem>>, vector<1x16xf32>,
      %swap3A_97 = vector.shape_cast %swap3A_96 : vector<1x16xf32> to vector<16xf32>
      %swap3A_98 = vector.shape_cast %broadcast_in_dim3A_1 : vector<16xf32> to vector<1x16xf32>
      tpu.vector_store %arg9[%swap3A_94, %swap3A_95], %swap3A_98 {strides = array<i32>} : memref<128x128xf32, #tpu.memory_space<vmem>>, vector<1x16xf32>,
      %swap3A_99 = arith.index_cast %scan3A_93 : i32 to index
      %swap3A_100 = arith.constant 16 : index
      %swap3A_101 = tpu.vector_load %arg9[%swap3A_99, %swap3A_100] {strides = array<i32>} : memref<128x128xf32, #tpu.memory_space<vmem>>, vector<1x16xf32>,
      %swap3A_102 = vector.shape_cast %swap3A_101 : vector<1x16xf32> to vector<16xf32>
      %swap3A_103 = vector.shape_cast %broadcast_in_dim3A_1 : vector<16xf32> to vector<1x16xf32>
      tpu.vector_store %arg9[%swap3A_99, %swap3A_100], %swap3A_103 {strides = array<i32>} : memref<128x128xf32, #tpu.memory_space<vmem>>, vector<1x16xf32>,
      %swap3A_104 = arith.index_cast %scan3A_93 : i32 to index
      %swap3A_105 = arith.constant 32 : index
      %swap3A_106 = tpu.vector_load %arg9[%swap3A_104, %swap3A_105] {strides = array<i32>} : memref<128x128xf32, #tpu.memory_space<vmem>>, vector<1x16xf32>,
      %swap3A_107 = vector.shape_cast %swap3A_106 : vector<1x16xf32> to vector<16xf32>
      %swap3A_108 = vector.shape_cast %broadcast_in_dim3A_1 : vector<16xf32> to vector<1x16xf32>
      tpu.vector_store %arg9[%swap3A_104, %swap3A_105], %swap3A_108 {strides = array<i32>} : memref<128x128xf32, #tpu.memory_space<vmem>>, vector<1x16xf32>,
      %swap3A_109 = arith.index_cast %scan3A_93 : i32 to index
      %swap3A_110 = arith.constant 48 : index
      %swap3A_111 = tpu.vector_load %arg9[%swap3A_109, %swap3A_110] {strides = array<i32>} : memref<128x128xf32, #tpu.memory_space<vmem>>, vector<1x16xf32>,
      %swap3A_112 = vector.shape_cast %swap3A_111 : vector<1x16xf32> to vector<16xf32>
      %swap3A_113 = vector.shape_cast %broadcast_in_dim3A_1 : vector<16xf32> to vector<1x16xf32>
      tpu.vector_store %arg9[%swap3A_109, %swap3A_110], %swap3A_113 {strides = array<i32>} : memref<128x128xf32, #tpu.memory_space<vmem>>, vector<1x16xf32>,
      %swap3A_114 = arith.index_cast %scan3A_93 : i32 to index
      %swap3A_115 = arith.constant 64 : index
      %swap3A_116 = tpu.vector_load %arg9[%swap3A_114, %swap3A_115] {strides = array<i32>} : memref<128x128xf32, #tpu.memory_space<vmem>>, vector<1x16xf32>,
      %swap3A_117 = vector.shape_cast %swap3A_116 : vector<1x16xf32> to vector<16xf32>
      %swap3A_118 = vector.shape_cast %broadcast_in_dim3A_1 : vector<16xf32> to vector<1x16xf32>
      tpu.vector_store %arg9[%swap3A_114, %swap3A_115], %swap3A_118 {strides = array<i32>} : memref<128x128xf32, #tpu.memory_space<vmem>>, vector<1x16xf32>,
      %swap3A_119 = arith.index_cast %scan3A_93 : i32 to index
      %swap3A_120 = arith.constant 80 : index
      %swap3A_121 = tpu.vector_load %arg9[%swap3A_119, %swap3A_120] {strides = array<i32>} : memref<128x128xf32, #tpu.memory_space<vmem>>, vector<1x16xf32>,
      %swap3A_122 = vector.shape_cast %swap3A_121 : vector<1x16xf32> to vector<16xf32>
      %swap3A_123 = vector.shape_cast %broadcast_in_dim3A_1 : vector<16xf32> to vector<1x16xf32>
      tpu.vector_store %arg9[%swap3A_119, %swap3A_120], %swap3A_123 {strides = array<i32>} : memref<128x128xf32, #tpu.memory_space<vmem>>, vector<1x16xf32>,
      %swap3A_124 = arith.index_cast %scan3A_93 : i32 to index
      %swap3A_125 = arith.constant 96 : index
      %swap3A_126 = tpu.vector_load %arg9[%swap3A_124, %swap3A_125] {strides = array<i32>} : memref<128x128xf32, #tpu.memory_space<vmem>>, vector<1x16xf32>,
      %swap3A_127 = vector.shape_cast %swap3A_126 : vector<1x16xf32> to vector<16xf32>
      %swap3A_128 = vector.shape_cast %broadcast_in_dim3A_1 : vector<16xf32> to vector<1x16xf32>
      tpu.vector_store %arg9[%swap3A_124, %swap3A_125], %swap3A_128 {strides = array<i32>} : memref<128x128xf32, #tpu.memory_space<vmem>>, vector<1x16xf32>,
      %swap3A_129 = arith.index_cast %scan3A_93 : i32 to index
      %swap3A_130 = arith.constant 112 : index
      %swap3A_131 = tpu.vector_load %arg9[%swap3A_129, %swap3A_130] {strides = array<i32>} : memref<128x128xf32, #tpu.memory_space<vmem>>, vector<1x16xf32>,
      %swap3A_132 = vector.shape_cast %swap3A_131 : vector<1x16xf32> to vector<16xf32>
      %swap3A_133 = vector.shape_cast %broadcast_in_dim3A_1 : vector<16xf32> to vector<1x16xf32>
      tpu.vector_store %arg9[%swap3A_129, %swap3A_130], %swap3A_133 {strides = array<i32>} : memref<128x128xf32, #tpu.memory_space<vmem>>, vector<1x16xf32>,
    }
    %scan3A_6 = arith.constant 128 : i32
    %mul3A_7 = arith.constant 640 : i32
    %mul3A_8 = arith.muli %arg1, %mul3A_7 : i32
    %add3A_9 = arith.constant 0 : i32
    %add3A_10 = arith.addi %mul3A_8, %add3A_9 : i32
    "tpu.region"() ({
      %run_scoped3A = tpu.sem_alloc : memref<!tpu.dma_semaphore, #tpu.memory_space<semaphore_mem>>
      %dma_start3A = arith.constant 0 : i32
      %dma_start3A_93 = tpu.memref_slice %arg10[%add3A_10, %dma_start3A] : memref<10240x128xf32, #tpu.memory_space<vmem_shared>> -> memref<128x128xf32, #tpu.memory_space<vmem_shared>>
      %dma_start3A_94 = arith.constant 0 : i32
      %dma_start3A_95 = tpu.memref_slice %arg10[%add3A_10, %dma_start3A_94] : memref<10240x128xf32, #tpu.memory_space<vmem_shared>> -> memref<128x128xf32, #tpu.memory_space<vmem_shared>>
      tpu.enqueue_dma source(%arg9 : memref<128x128xf32, #tpu.memory_space<vmem>>) target(%dma_start3A_95 : memref<128x128xf32, #tpu.memory_space<vmem_shared>>) target_semaphore(%run_scoped3A : memref<!tpu.dma_semaphore, #tpu.memory_space<semaphore_mem>>)
      %dma_wait3A = arith.constant 0 : i32
      %dma_wait3A_96 = tpu.memref_slice %arg10[%add3A_10, %dma_wait3A] : memref<10240x128xf32, #tpu.memory_space<vmem_shared>> -> memref<128x128xf32, #tpu.memory_space<vmem_shared>>
      %dma_wait3A_97 = arith.constant 0 : i32
      %dma_wait3A_98 = tpu.memref_slice %arg10[%add3A_10, %dma_wait3A_97] : memref<10240x128xf32, #tpu.memory_space<vmem_shared>> -> memref<128x128xf32, #tpu.memory_space<vmem_shared>>
      tpu.wait_dma2 semaphore(%run_scoped3A : memref<!tpu.dma_semaphore, #tpu.memory_space<semaphore_mem>>) src(%arg9 : memref<128x128xf32, #tpu.memory_space<vmem>>) dst(%dma_wait3A_98 : memref<128x128xf32, #tpu.memory_space<vmem_shared>>)
      tpu.yield
    }) : () -> ()
    %mul3A_11 = arith.constant 640 : i32
    %mul3A_12 = arith.muli %arg1, %mul3A_11 : i32
    %add3A_13 = arith.constant 128 : i32
    %add3A_14 = arith.addi %mul3A_12, %add3A_13 : i32
    "tpu.region"() ({
      %run_scoped3A = tpu.sem_alloc : memref<!tpu.dma_semaphore, #tpu.memory_space<semaphore_mem>>
      %dma_start3A = arith.constant 0 : i32
      %dma_start3A_93 = tpu.memref_slice %arg10[%add3A_14, %dma_start3A] : memref<10240x128xf32, #tpu.memory_space<vmem_shared>> -> memref<128x128xf32, #tpu.memory_space<vmem_shared>>
      %dma_start3A_94 = arith.constant 0 : i32
      %dma_start3A_95 = tpu.memref_slice %arg10[%add3A_14, %dma_start3A_94] : memref<10240x128xf32, #tpu.memory_space<vmem_shared>> -> memref<128x128xf32, #tpu.memory_space<vmem_shared>>
      tpu.enqueue_dma source(%arg9 : memref<128x128xf32, #tpu.memory_space<vmem>>) target(%dma_start3A_95 : memref<128x128xf32, #tpu.memory_space<vmem_shared>>) target_semaphore(%run_scoped3A : memref<!tpu.dma_semaphore, #tpu.memory_space<semaphore_mem>>)
      %dma_wait3A = arith.constant 0 : i32
      %dma_wait3A_96 = tpu.memref_slice %arg10[%add3A_14, %dma_wait3A] : memref<10240x128xf32, #tpu.memory_space<vmem_shared>> -> memref<128x128xf32, #tpu.memory_space<vmem_shared>>
      %dma_wait3A_97 = arith.constant 0 : i32
      %dma_wait3A_98 = tpu.memref_slice %arg10[%add3A_14, %dma_wait3A_97] : memref<10240x128xf32, #tpu.memory_space<vmem_shared>> -> memref<128x128xf32, #tpu.memory_space<vmem_shared>>
      tpu.wait_dma2 semaphore(%run_scoped3A : memref<!tpu.dma_semaphore, #tpu.memory_space<semaphore_mem>>) src(%arg9 : memref<128x128xf32, #tpu.memory_space<vmem>>) dst(%dma_wait3A_98 : memref<128x128xf32, #tpu.memory_space<vmem_shared>>)
      tpu.yield
    }) : () -> ()
    %mul3A_15 = arith.constant 640 : i32
    %mul3A_16 = arith.muli %arg1, %mul3A_15 : i32
    %add3A_17 = arith.constant 256 : i32
    %add3A_18 = arith.addi %mul3A_16, %add3A_17 : i32
    "tpu.region"() ({
      %run_scoped3A = tpu.sem_alloc : memref<!tpu.dma_semaphore, #tpu.memory_space<semaphore_mem>>
      %dma_start3A = arith.constant 0 : i32
      %dma_start3A_93 = tpu.memref_slice %arg10[%add3A_18, %dma_start3A] : memref<10240x128xf32, #tpu.memory_space<vmem_shared>> -> memref<128x128xf32, #tpu.memory_space<vmem_shared>>
      %dma_start3A_94 = arith.constant 0 : i32
      %dma_start3A_95 = tpu.memref_slice %arg10[%add3A_18, %dma_start3A_94] : memref<10240x128xf32, #tpu.memory_space<vmem_shared>> -> memref<128x128xf32, #tpu.memory_space<vmem_shared>>
      tpu.enqueue_dma source(%arg9 : memref<128x128xf32, #tpu.memory_space<vmem>>) target(%dma_start3A_95 : memref<128x128xf32, #tpu.memory_space<vmem_shared>>) target_semaphore(%run_scoped3A : memref<!tpu.dma_semaphore, #tpu.memory_space<semaphore_mem>>)
      %dma_wait3A = arith.constant 0 : i32
      %dma_wait3A_96 = tpu.memref_slice %arg10[%add3A_18, %dma_wait3A] : memref<10240x128xf32, #tpu.memory_space<vmem_shared>> -> memref<128x128xf32, #tpu.memory_space<vmem_shared>>
      %dma_wait3A_97 = arith.constant 0 : i32
      %dma_wait3A_98 = tpu.memref_slice %arg10[%add3A_18, %dma_wait3A_97] : memref<10240x128xf32, #tpu.memory_space<vmem_shared>> -> memref<128x128xf32, #tpu.memory_space<vmem_shared>>
      tpu.wait_dma2 semaphore(%run_scoped3A : memref<!tpu.dma_semaphore, #tpu.memory_space<semaphore_mem>>) src(%arg9 : memref<128x128xf32, #tpu.memory_space<vmem>>) dst(%dma_wait3A_98 : memref<128x128xf32, #tpu.memory_space<vmem_shared>>)
      tpu.yield
    }) : () -> ()
    %mul3A_19 = arith.constant 640 : i32
    %mul3A_20 = arith.muli %arg1, %mul3A_19 : i32
    %add3A_21 = arith.constant 384 : i32
    %add3A_22 = arith.addi %mul3A_20, %add3A_21 : i32
    "tpu.region"() ({
      %run_scoped3A = tpu.sem_alloc : memref<!tpu.dma_semaphore, #tpu.memory_space<semaphore_mem>>
      %dma_start3A = arith.constant 0 : i32
      %dma_start3A_93 = tpu.memref_slice %arg10[%add3A_22, %dma_start3A] : memref<10240x128xf32, #tpu.memory_space<vmem_shared>> -> memref<128x128xf32, #tpu.memory_space<vmem_shared>>
      %dma_start3A_94 = arith.constant 0 : i32
      %dma_start3A_95 = tpu.memref_slice %arg10[%add3A_22, %dma_start3A_94] : memref<10240x128xf32, #tpu.memory_space<vmem_shared>> -> memref<128x128xf32, #tpu.memory_space<vmem_shared>>
      tpu.enqueue_dma source(%arg9 : memref<128x128xf32, #tpu.memory_space<vmem>>) target(%dma_start3A_95 : memref<128x128xf32, #tpu.memory_space<vmem_shared>>) target_semaphore(%run_scoped3A : memref<!tpu.dma_semaphore, #tpu.memory_space<semaphore_mem>>)
      %dma_wait3A = arith.constant 0 : i32
      %dma_wait3A_96 = tpu.memref_slice %arg10[%add3A_22, %dma_wait3A] : memref<10240x128xf32, #tpu.memory_space<vmem_shared>> -> memref<128x128xf32, #tpu.memory_space<vmem_shared>>
      %dma_wait3A_97 = arith.constant 0 : i32
      %dma_wait3A_98 = tpu.memref_slice %arg10[%add3A_22, %dma_wait3A_97] : memref<10240x128xf32, #tpu.memory_space<vmem_shared>> -> memref<128x128xf32, #tpu.memory_space<vmem_shared>>
      tpu.wait_dma2 semaphore(%run_scoped3A : memref<!tpu.dma_semaphore, #tpu.memory_space<semaphore_mem>>) src(%arg9 : memref<128x128xf32, #tpu.memory_space<vmem>>) dst(%dma_wait3A_98 : memref<128x128xf32, #tpu.memory_space<vmem_shared>>)
      tpu.yield
    }) : () -> ()
    %mul3A_23 = arith.constant 640 : i32
    %mul3A_24 = arith.muli %arg1, %mul3A_23 : i32
    %add3A_25 = arith.constant 512 : i32
    %add3A_26 = arith.addi %mul3A_24, %add3A_25 : i32
    "tpu.region"() ({
      %run_scoped3A = tpu.sem_alloc : memref<!tpu.dma_semaphore, #tpu.memory_space<semaphore_mem>>
      %dma_start3A = arith.constant 0 : i32
      %dma_start3A_93 = tpu.memref_slice %arg10[%add3A_26, %dma_start3A] : memref<10240x128xf32, #tpu.memory_space<vmem_shared>> -> memref<128x128xf32, #tpu.memory_space<vmem_shared>>
      %dma_start3A_94 = arith.constant 0 : i32
      %dma_start3A_95 = tpu.memref_slice %arg10[%add3A_26, %dma_start3A_94] : memref<10240x128xf32, #tpu.memory_space<vmem_shared>> -> memref<128x128xf32, #tpu.memory_space<vmem_shared>>
      tpu.enqueue_dma source(%arg9 : memref<128x128xf32, #tpu.memory_space<vmem>>) target(%dma_start3A_95 : memref<128x128xf32, #tpu.memory_space<vmem_shared>>) target_semaphore(%run_scoped3A : memref<!tpu.dma_semaphore, #tpu.memory_space<semaphore_mem>>)
      %dma_wait3A = arith.constant 0 : i32
      %dma_wait3A_96 = tpu.memref_slice %arg10[%add3A_26, %dma_wait3A] : memref<10240x128xf32, #tpu.memory_space<vmem_shared>> -> memref<128x128xf32, #tpu.memory_space<vmem_shared>>
      %dma_wait3A_97 = arith.constant 0 : i32
      %dma_wait3A_98 = tpu.memref_slice %arg10[%add3A_26, %dma_wait3A_97] : memref<10240x128xf32, #tpu.memory_space<vmem_shared>> -> memref<128x128xf32, #tpu.memory_space<vmem_shared>>
      tpu.wait_dma2 semaphore(%run_scoped3A : memref<!tpu.dma_semaphore, #tpu.memory_space<semaphore_mem>>) src(%arg9 : memref<128x128xf32, #tpu.memory_space<vmem>>) dst(%dma_wait3A_98 : memref<128x128xf32, #tpu.memory_space<vmem_shared>>)
      tpu.yield
    }) : () -> ()
    %broadcast_in_dim3A_27 = arith.constant 1.000000e+00 : f32
    %broadcast_in_dim3A_28 = vector.broadcast %broadcast_in_dim3A_27 : f32 to vector<16xf32>
    %scan3A_29 = arith.constant 0 : i32
    %scan3A_30 = arith.constant 0 : i32
    %scan3A_31 = arith.constant 40 : i32
    %scan3A_32 = arith.addi %scan3A_30, %scan3A_31 : i32
    %scan3A_33 = arith.constant 1 : i32
    scf.for %scan3A_93 = %scan3A_30 to %scan3A_32 step %scan3A_33  : i32 {
      %mul3A_94 = arith.constant 16 : i32
      %mul3A_95 = arith.muli %scan3A_93, %mul3A_94 : i32
      %swap3A_96 = arith.index_cast %mul3A_95 : i32 to index
      %swap3A_97 = tpu.vector_load %arg13[%swap3A_96] {strides = array<i32>} : memref<640xf32, #tpu.memory_space<vmem>>, vector<16xf32>,
      %swap3A_98 = vector.shape_cast %swap3A_97 : vector<16xf32> to vector<16xf32>
      %swap3A_99 = vector.shape_cast %broadcast_in_dim3A_1 : vector<16xf32> to vector<16xf32>
      tpu.vector_store %arg13[%swap3A_96], %swap3A_99 {strides = array<i32>} : memref<640xf32, #tpu.memory_space<vmem>>, vector<16xf32>,
    }
    %scan3A_34 = arith.constant 40 : i32
    %swap3A = arith.constant 0 : index
    %swap3A_35 = tpu.vector_load %arg14[%swap3A] {strides = array<i32>} : memref<128xf32, #tpu.memory_space<vmem>>, vector<16xf32>,
    %swap3A_36 = vector.shape_cast %swap3A_35 : vector<16xf32> to vector<16xf32>
    %swap3A_37 = vector.shape_cast %broadcast_in_dim3A_28 : vector<16xf32> to vector<16xf32>
    tpu.vector_store %arg14[%swap3A], %swap3A_37 {strides = array<i32>} : memref<128xf32, #tpu.memory_space<vmem>>, vector<16xf32>,
    %swap3A_38 = arith.constant 16 : index
    %swap3A_39 = tpu.vector_load %arg14[%swap3A_38] {strides = array<i32>} : memref<128xf32, #tpu.memory_space<vmem>>, vector<16xf32>,
    %swap3A_40 = vector.shape_cast %swap3A_39 : vector<16xf32> to vector<16xf32>
    %swap3A_41 = vector.shape_cast %broadcast_in_dim3A_28 : vector<16xf32> to vector<16xf32>
    tpu.vector_store %arg14[%swap3A_38], %swap3A_41 {strides = array<i32>} : memref<128xf32, #tpu.memory_space<vmem>>, vector<16xf32>,
    %swap3A_42 = arith.constant 32 : index
    %swap3A_43 = tpu.vector_load %arg14[%swap3A_42] {strides = array<i32>} : memref<128xf32, #tpu.memory_space<vmem>>, vector<16xf32>,
    %swap3A_44 = vector.shape_cast %swap3A_43 : vector<16xf32> to vector<16xf32>
    %swap3A_45 = vector.shape_cast %broadcast_in_dim3A_28 : vector<16xf32> to vector<16xf32>
    tpu.vector_store %arg14[%swap3A_42], %swap3A_45 {strides = array<i32>} : memref<128xf32, #tpu.memory_space<vmem>>, vector<16xf32>,
    %swap3A_46 = arith.constant 48 : index
    %swap3A_47 = tpu.vector_load %arg14[%swap3A_46] {strides = array<i32>} : memref<128xf32, #tpu.memory_space<vmem>>, vector<16xf32>,
    %swap3A_48 = vector.shape_cast %swap3A_47 : vector<16xf32> to vector<16xf32>
    %swap3A_49 = vector.shape_cast %broadcast_in_dim3A_28 : vector<16xf32> to vector<16xf32>
    tpu.vector_store %arg14[%swap3A_46], %swap3A_49 {strides = array<i32>} : memref<128xf32, #tpu.memory_space<vmem>>, vector<16xf32>,
    %swap3A_50 = arith.constant 64 : index
    %swap3A_51 = tpu.vector_load %arg14[%swap3A_50] {strides = array<i32>} : memref<128xf32, #tpu.memory_space<vmem>>, vector<16xf32>,
    %swap3A_52 = vector.shape_cast %swap3A_51 : vector<16xf32> to vector<16xf32>
    %swap3A_53 = vector.shape_cast %broadcast_in_dim3A_28 : vector<16xf32> to vector<16xf32>
    tpu.vector_store %arg14[%swap3A_50], %swap3A_53 {strides = array<i32>} : memref<128xf32, #tpu.memory_space<vmem>>, vector<16xf32>,
    %swap3A_54 = arith.constant 80 : index
    %swap3A_55 = tpu.vector_load %arg14[%swap3A_54] {strides = array<i32>} : memref<128xf32, #tpu.memory_space<vmem>>, vector<16xf32>,
    %swap3A_56 = vector.shape_cast %swap3A_55 : vector<16xf32> to vector<16xf32>
    %swap3A_57 = vector.shape_cast %broadcast_in_dim3A_28 : vector<16xf32> to vector<16xf32>
    tpu.vector_store %arg14[%swap3A_54], %swap3A_57 {strides = array<i32>} : memref<128xf32, #tpu.memory_space<vmem>>, vector<16xf32>,
    %swap3A_58 = arith.constant 96 : index
    %swap3A_59 = tpu.vector_load %arg14[%swap3A_58] {strides = array<i32>} : memref<128xf32, #tpu.memory_space<vmem>>, vector<16xf32>,
    %swap3A_60 = vector.shape_cast %swap3A_59 : vector<16xf32> to vector<16xf32>
    %swap3A_61 = vector.shape_cast %broadcast_in_dim3A_28 : vector<16xf32> to vector<16xf32>
    tpu.vector_store %arg14[%swap3A_58], %swap3A_61 {strides = array<i32>} : memref<128xf32, #tpu.memory_space<vmem>>, vector<16xf32>,
    %swap3A_62 = arith.constant 112 : index
    %swap3A_63 = tpu.vector_load %arg14[%swap3A_62] {strides = array<i32>} : memref<128xf32, #tpu.memory_space<vmem>>, vector<16xf32>,
    %swap3A_64 = vector.shape_cast %swap3A_63 : vector<16xf32> to vector<16xf32>
    %swap3A_65 = vector.shape_cast %broadcast_in_dim3A_28 : vector<16xf32> to vector<16xf32>
    tpu.vector_store %arg14[%swap3A_62], %swap3A_65 {strides = array<i32>} : memref<128xf32, #tpu.memory_space<vmem>>, vector<16xf32>,
    %mul3A_66 = arith.constant 640 : i32
    %mul3A_67 = arith.muli %arg1, %mul3A_66 : i32
    "tpu.region"() ({
      %run_scoped3A = tpu.sem_alloc : memref<!tpu.dma_semaphore, #tpu.memory_space<semaphore_mem>>
      %dma_start3A = tpu.memref_slice %arg12[%mul3A_67] : memref<10240xf32, #tpu.memory_space<vmem_shared>> -> memref<640xf32, #tpu.memory_space<vmem_shared>>
      %dma_start3A_93 = tpu.memref_slice %arg12[%mul3A_67] : memref<10240xf32, #tpu.memory_space<vmem_shared>> -> memref<640xf32, #tpu.memory_space<vmem_shared>>
      tpu.enqueue_dma source(%arg13 : memref<640xf32, #tpu.memory_space<vmem>>) target(%dma_start3A_93 : memref<640xf32, #tpu.memory_space<vmem_shared>>) target_semaphore(%run_scoped3A : memref<!tpu.dma_semaphore, #tpu.memory_space<semaphore_mem>>)
      %dma_wait3A = tpu.memref_slice %arg12[%mul3A_67] : memref<10240xf32, #tpu.memory_space<vmem_shared>> -> memref<640xf32, #tpu.memory_space<vmem_shared>>
      %dma_wait3A_94 = tpu.memref_slice %arg12[%mul3A_67] : memref<10240xf32, #tpu.memory_space<vmem_shared>> -> memref<640xf32, #tpu.memory_space<vmem_shared>>
      tpu.wait_dma2 semaphore(%run_scoped3A : memref<!tpu.dma_semaphore, #tpu.memory_space<semaphore_mem>>) src(%arg13 : memref<640xf32, #tpu.memory_space<vmem>>) dst(%dma_wait3A_94 : memref<640xf32, #tpu.memory_space<vmem_shared>>)
      tpu.yield
    }) : () -> ()
    %mul3A_68 = arith.constant 80 : i32
    %mul3A_69 = arith.muli %add3A, %mul3A_68 : i32
    "tpu.region"() ({
      %run_scoped3A = tpu.sem_alloc : memref<!tpu.dma_semaphore, #tpu.memory_space<semaphore_mem>>
      %dma_start3A = arith.constant 0 : i32
      %dma_start3A_93 = tpu.memref_slice %arg3[%mul3A_69, %dma_start3A] : memref<2560x128xi32, #tpu.memory_space<hbm>> -> memref<80x128xi32, #tpu.memory_space<hbm>>
      %dma_start3A_94 = arith.constant 0 : i32
      %dma_start3A_95 = tpu.memref_slice %arg3[%mul3A_69, %dma_start3A_94] : memref<2560x128xi32, #tpu.memory_space<hbm>> -> memref<80x128xi32, #tpu.memory_space<hbm>>
      tpu.enqueue_dma source(%dma_start3A_95 : memref<80x128xi32, #tpu.memory_space<hbm>>) target(%arg7 : memref<80x128xi32, #tpu.memory_space<vmem>>) target_semaphore(%run_scoped3A : memref<!tpu.dma_semaphore, #tpu.memory_space<semaphore_mem>>)
      %dma_wait3A = arith.constant 0 : i32
      %dma_wait3A_96 = tpu.memref_slice %arg3[%mul3A_69, %dma_wait3A] : memref<2560x128xi32, #tpu.memory_space<hbm>> -> memref<80x128xi32, #tpu.memory_space<hbm>>
      %dma_wait3A_97 = arith.constant 0 : i32
      %dma_wait3A_98 = tpu.memref_slice %arg3[%mul3A_69, %dma_wait3A_97] : memref<2560x128xi32, #tpu.memory_space<hbm>> -> memref<80x128xi32, #tpu.memory_space<hbm>>
      tpu.wait_dma2 semaphore(%run_scoped3A : memref<!tpu.dma_semaphore, #tpu.memory_space<semaphore_mem>>) src(%dma_wait3A_98 : memref<80x128xi32, #tpu.memory_space<hbm>>) dst(%arg7 : memref<80x128xi32, #tpu.memory_space<vmem>>)
      tpu.yield
    }) : () -> ()
    %mul3A_70 = arith.constant 80 : i32
    %mul3A_71 = arith.muli %add3A, %mul3A_70 : i32
    "tpu.region"() ({
      %run_scoped3A = tpu.sem_alloc : memref<!tpu.dma_semaphore, #tpu.memory_space<semaphore_mem>>
      %dma_start3A = arith.constant 0 : i32
      %dma_start3A_93 = tpu.memref_slice %arg4[%mul3A_71, %dma_start3A] : memref<2560x128xi32, #tpu.memory_space<hbm>> -> memref<80x128xi32, #tpu.memory_space<hbm>>
      %dma_start3A_94 = arith.constant 0 : i32
      %dma_start3A_95 = tpu.memref_slice %arg4[%mul3A_71, %dma_start3A_94] : memref<2560x128xi32, #tpu.memory_space<hbm>> -> memref<80x128xi32, #tpu.memory_space<hbm>>
      tpu.enqueue_dma source(%dma_start3A_95 : memref<80x128xi32, #tpu.memory_space<hbm>>) target(%arg8 : memref<80x128xi32, #tpu.memory_space<vmem>>) target_semaphore(%run_scoped3A : memref<!tpu.dma_semaphore, #tpu.memory_space<semaphore_mem>>)
      %dma_wait3A = arith.constant 0 : i32
      %dma_wait3A_96 = tpu.memref_slice %arg4[%mul3A_71, %dma_wait3A] : memref<2560x128xi32, #tpu.memory_space<hbm>> -> memref<80x128xi32, #tpu.memory_space<hbm>>
      %dma_wait3A_97 = arith.constant 0 : i32
      %dma_wait3A_98 = tpu.memref_slice %arg4[%mul3A_71, %dma_wait3A_97] : memref<2560x128xi32, #tpu.memory_space<hbm>> -> memref<80x128xi32, #tpu.memory_space<hbm>>
      tpu.wait_dma2 semaphore(%run_scoped3A : memref<!tpu.dma_semaphore, #tpu.memory_space<semaphore_mem>>) src(%dma_wait3A_98 : memref<80x128xi32, #tpu.memory_space<hbm>>) dst(%arg8 : memref<80x128xi32, #tpu.memory_space<vmem>>)
      tpu.yield
    }) : () -> ()
    %barrier3A = arith.constant 0 : index
    tpu.barrier barrier_id(%barrier3A)
    %scan3A_72 = arith.constant 0 : i32
    %scan3A_73 = arith.constant 0 : i32
    %scan3A_74 = arith.constant 80 : i32
    %scan3A_75 = arith.addi %scan3A_73, %scan3A_74 : i32
    %scan3A_76 = arith.constant 1 : i32
    scf.for %scan3A_93 = %scan3A_73 to %scan3A_75 step %scan3A_76  : i32 {
      %dma_start3A = arith.constant 0 : i32
      %dma_start3A_94 = tpu.memref_slice %arg7[%scan3A_93, %dma_start3A] : memref<80x128xi32, #tpu.memory_space<vmem>> -> memref<1x128xi32, #tpu.memory_space<vmem>>
      %dma_start3A_95 = tpu.memref_squeeze %dma_start3A_94 : memref<1x128xi32, #tpu.memory_space<vmem>> -> memref<128xi32, #tpu.memory_space<vmem>>
      %dma_start3A_96 = arith.constant 0 : i32
      %dma_start3A_97 = arith.constant 0 : i32
      %dma_start3A_98 = tpu.memref_slice %arg2[%dma_start3A_96, %dma_start3A_97] : memref<10240x128xf32, #tpu.memory_space<hbm>> -> memref<10240x128xf32, #tpu.memory_space<hbm>>
      tpu.enqueue_indirect_dma source(%dma_start3A_98 : memref<10240x128xf32, #tpu.memory_space<hbm>>) target(%arg9 : memref<128x128xf32, #tpu.memory_space<vmem>>) offsets(%dma_start3A_95 : memref<128xi32, #tpu.memory_space<vmem>>) semaphore(%arg11 : memref<!tpu.dma_semaphore, #tpu.memory_space<semaphore_mem>>)
      %dma_wait3A = arith.constant 0 : i32
      %dma_wait3A_99 = tpu.memref_slice %arg7[%scan3A_93, %dma_wait3A] : memref<80x128xi32, #tpu.memory_space<vmem>> -> memref<1x128xi32, #tpu.memory_space<vmem>>
      %dma_wait3A_100 = tpu.memref_squeeze %dma_wait3A_99 : memref<1x128xi32, #tpu.memory_space<vmem>> -> memref<128xi32, #tpu.memory_space<vmem>>
      %dma_wait3A_101 = arith.constant 0 : i32
      %dma_wait3A_102 = arith.constant 0 : i32
      %dma_wait3A_103 = tpu.memref_slice %arg2[%dma_wait3A_101, %dma_wait3A_102] : memref<10240x128xf32, #tpu.memory_space<hbm>> -> memref<10240x128xf32, #tpu.memory_space<hbm>>
      tpu.wait_indirect_dma semaphore(%arg11 : memref<!tpu.dma_semaphore, #tpu.memory_space<semaphore_mem>>) src(%dma_wait3A_103 : memref<10240x128xf32, #tpu.memory_space<hbm>>) dst(%arg9 : memref<128x128xf32, #tpu.memory_space<vmem>>)
      "tpu.region"() ({
        %run_scoped3A = tpu.sem_alloc : memref<!tpu.dma_semaphore, #tpu.memory_space<semaphore_mem>>
        %dma_start3A_104 = arith.constant 0 : i32
        %dma_start3A_105 = tpu.memref_slice %arg8[%scan3A_93, %dma_start3A_104] : memref<80x128xi32, #tpu.memory_space<vmem>> -> memref<1x128xi32, #tpu.memory_space<vmem>>
        %dma_start3A_106 = tpu.memref_squeeze %dma_start3A_105 : memref<1x128xi32, #tpu.memory_space<vmem>> -> memref<128xi32, #tpu.memory_space<vmem>>
        %dma_start3A_107 = arith.constant 0 : i32
        %dma_start3A_108 = arith.constant 0 : i32
        %dma_start3A_109 = tpu.memref_slice %arg10[%dma_start3A_107, %dma_start3A_108] : memref<10240x128xf32, #tpu.memory_space<vmem_shared>> -> memref<10240x128xf32, #tpu.memory_space<vmem_shared>>
        tpu.enqueue_indirect_dma source(%arg9 : memref<128x128xf32, #tpu.memory_space<vmem>>) target(%dma_start3A_109 : memref<10240x128xf32, #tpu.memory_space<vmem_shared>>) offsets(%dma_start3A_106 : memref<128xi32, #tpu.memory_space<vmem>>) semaphore(%run_scoped3A : memref<!tpu.dma_semaphore, #tpu.memory_space<semaphore_mem>>) {add = true}
        %dma_wait3A_110 = arith.constant 0 : i32
        %dma_wait3A_111 = tpu.memref_slice %arg8[%scan3A_93, %dma_wait3A_110] : memref<80x128xi32, #tpu.memory_space<vmem>> -> memref<1x128xi32, #tpu.memory_space<vmem>>
        %dma_wait3A_112 = tpu.memref_squeeze %dma_wait3A_111 : memref<1x128xi32, #tpu.memory_space<vmem>> -> memref<128xi32, #tpu.memory_space<vmem>>
        %dma_wait3A_113 = arith.constant 0 : i32
        %dma_wait3A_114 = arith.constant 0 : i32
        %dma_wait3A_115 = tpu.memref_slice %arg10[%dma_wait3A_113, %dma_wait3A_114] : memref<10240x128xf32, #tpu.memory_space<vmem_shared>> -> memref<10240x128xf32, #tpu.memory_space<vmem_shared>>
        tpu.wait_indirect_dma semaphore(%run_scoped3A : memref<!tpu.dma_semaphore, #tpu.memory_space<semaphore_mem>>) src(%arg9 : memref<128x128xf32, #tpu.memory_space<vmem>>) dst(%dma_wait3A_115 : memref<10240x128xf32, #tpu.memory_space<vmem_shared>>)
        tpu.yield
      }) : () -> ()
      "tpu.region"() ({
        %run_scoped3A = tpu.sem_alloc : memref<!tpu.dma_semaphore, #tpu.memory_space<semaphore_mem>>
        %dma_start3A_104 = arith.constant 0 : i32
        %dma_start3A_105 = tpu.memref_slice %arg8[%scan3A_93, %dma_start3A_104] : memref<80x128xi32, #tpu.memory_space<vmem>> -> memref<1x128xi32, #tpu.memory_space<vmem>>
        %dma_start3A_106 = tpu.memref_squeeze %dma_start3A_105 : memref<1x128xi32, #tpu.memory_space<vmem>> -> memref<128xi32, #tpu.memory_space<vmem>>
        %dma_start3A_107 = arith.constant 0 : i32
        %dma_start3A_108 = tpu.memref_slice %arg12[%dma_start3A_107] : memref<10240xf32, #tpu.memory_space<vmem_shared>> -> memref<10240xf32, #tpu.memory_space<vmem_shared>>
        tpu.enqueue_indirect_dma source(%arg14 : memref<128xf32, #tpu.memory_space<vmem>>) target(%dma_start3A_108 : memref<10240xf32, #tpu.memory_space<vmem_shared>>) offsets(%dma_start3A_106 : memref<128xi32, #tpu.memory_space<vmem>>) semaphore(%run_scoped3A : memref<!tpu.dma_semaphore, #tpu.memory_space<semaphore_mem>>) {add = true}
        %dma_wait3A_109 = arith.constant 0 : i32
        %dma_wait3A_110 = tpu.memref_slice %arg8[%scan3A_93, %dma_wait3A_109] : memref<80x128xi32, #tpu.memory_space<vmem>> -> memref<1x128xi32, #tpu.memory_space<vmem>>
        %dma_wait3A_111 = tpu.memref_squeeze %dma_wait3A_110 : memref<1x128xi32, #tpu.memory_space<vmem>> -> memref<128xi32, #tpu.memory_space<vmem>>
        %dma_wait3A_112 = arith.constant 0 : i32
        %dma_wait3A_113 = tpu.memref_slice %arg12[%dma_wait3A_112] : memref<10240xf32, #tpu.memory_space<vmem_shared>> -> memref<10240xf32, #tpu.memory_space<vmem_shared>>
        tpu.wait_indirect_dma semaphore(%run_scoped3A : memref<!tpu.dma_semaphore, #tpu.memory_space<semaphore_mem>>) src(%arg14 : memref<128xf32, #tpu.memory_space<vmem>>) dst(%dma_wait3A_113 : memref<10240xf32, #tpu.memory_space<vmem_shared>>)
        tpu.yield
      }) : () -> ()
    }
    %scan3A_77 = arith.constant 80 : i32
    %barrier3A_78 = arith.constant 0 : index
    tpu.barrier barrier_id(%barrier3A_78)
    %mul3A_79 = arith.constant 640 : i32
    %mul3A_80 = arith.muli %arg1, %mul3A_79 : i32
    %mul3A_81 = arith.constant 10240 : i32
    %mul3A_82 = arith.muli %arg0, %mul3A_81 : i32
    %mul3A_83 = arith.constant 640 : i32
    %mul3A_84 = arith.muli %arg1, %mul3A_83 : i32
    %add3A_85 = arith.addi %mul3A_82, %mul3A_84 : i32
    "tpu.region"() ({
      %run_scoped3A = tpu.sem_alloc : memref<!tpu.dma_semaphore, #tpu.memory_space<semaphore_mem>>
      %dma_start3A = arith.constant 0 : i32
      %dma_start3A_93 = tpu.memref_slice %arg5[%add3A_85, %dma_start3A] : memref<20480x128xf32, #tpu.memory_space<hbm>> -> memref<640x128xf32, #tpu.memory_space<hbm>>
      %dma_start3A_94 = arith.constant 0 : i32
      %dma_start3A_95 = tpu.memref_slice %arg10[%mul3A_80, %dma_start3A_94] : memref<10240x128xf32, #tpu.memory_space<vmem_shared>> -> memref<640x128xf32, #tpu.memory_space<vmem_shared>>
      tpu.enqueue_dma source(%dma_start3A_95 : memref<640x128xf32, #tpu.memory_space<vmem_shared>>) target(%dma_start3A_93 : memref<640x128xf32, #tpu.memory_space<hbm>>) target_semaphore(%run_scoped3A : memref<!tpu.dma_semaphore, #tpu.memory_space<semaphore_mem>>)
      %dma_wait3A = arith.constant 0 : i32
      %dma_wait3A_96 = tpu.memref_slice %arg5[%add3A_85, %dma_wait3A] : memref<20480x128xf32, #tpu.memory_space<hbm>> -> memref<640x128xf32, #tpu.memory_space<hbm>>
      %dma_wait3A_97 = arith.constant 0 : i32
      %dma_wait3A_98 = tpu.memref_slice %arg10[%mul3A_80, %dma_wait3A_97] : memref<10240x128xf32, #tpu.memory_space<vmem_shared>> -> memref<640x128xf32, #tpu.memory_space<vmem_shared>>
      tpu.wait_dma2 semaphore(%run_scoped3A : memref<!tpu.dma_semaphore, #tpu.memory_space<semaphore_mem>>) src(%dma_wait3A_98 : memref<640x128xf32, #tpu.memory_space<vmem_shared>>) dst(%dma_wait3A_96 : memref<640x128xf32, #tpu.memory_space<hbm>>)
      tpu.yield
    }) : () -> ()
    %mul3A_86 = arith.constant 640 : i32
    %mul3A_87 = arith.muli %arg1, %mul3A_86 : i32
    %mul3A_88 = arith.constant 10240 : i32
    %mul3A_89 = arith.muli %arg0, %mul3A_88 : i32
    %mul3A_90 = arith.constant 640 : i32
    %mul3A_91 = arith.muli %arg1, %mul3A_90 : i32
    %add3A_92 = arith.addi %mul3A_89, %mul3A_91 : i32
    "tpu.region"() ({
      %run_scoped3A = tpu.sem_alloc : memref<!tpu.dma_semaphore, #tpu.memory_space<semaphore_mem>>
      %dma_start3A = tpu.memref_slice %arg6[%add3A_92] : memref<20480xf32, #tpu.memory_space<hbm>> -> memref<640xf32, #tpu.memory_space<hbm>>
      %dma_start3A_93 = tpu.memref_slice %arg12[%mul3A_87] : memref<10240xf32, #tpu.memory_space<vmem_shared>> -> memref<640xf32, #tpu.memory_space<vmem_shared>>
      tpu.enqueue_dma source(%dma_start3A_93 : memref<640xf32, #tpu.memory_space<vmem_shared>>) target(%dma_start3A : memref<640xf32, #tpu.memory_space<hbm>>) target_semaphore(%run_scoped3A : memref<!tpu.dma_semaphore, #tpu.memory_space<semaphore_mem>>)
      %dma_wait3A = tpu.memref_slice %arg6[%add3A_92] : memref<20480xf32, #tpu.memory_space<hbm>> -> memref<640xf32, #tpu.memory_space<hbm>>
      %dma_wait3A_94 = tpu.memref_slice %arg12[%mul3A_87] : memref<10240xf32, #tpu.memory_space<vmem_shared>> -> memref<640xf32, #tpu.memory_space<vmem_shared>>
      tpu.wait_dma2 semaphore(%run_scoped3A : memref<!tpu.dma_semaphore, #tpu.memory_space<semaphore_mem>>) src(%dma_wait3A_94 : memref<640xf32, #tpu.memory_space<vmem_shared>>) dst(%dma_wait3A : memref<640xf32, #tpu.memory_space<hbm>>)
      tpu.yield
    }) : () -> ()
    return
  }
}

#map = affine_map<(d0, d1) -> (0, 0)>
module attributes {stable_mosaic.version = 14 : i64} {
  func.func @edge_scatter(%arg0: i32, %arg1: i32, %arg2: memref<10240x128xf32, #tpu.memory_space<hbm>>, %arg3: memref<2560x128xi32, #tpu.memory_space<hbm>>, %arg4: memref<2560x128xi32, #tpu.memory_space<hbm>>, %arg5: memref<20480x128xf32, #tpu.memory_space<hbm>>, %arg6: memref<80x128xi32, #tpu.memory_space<vmem>>, %arg7: memref<80x128xi32, #tpu.memory_space<vmem>>, %arg8: memref<128x128xf32, #tpu.memory_space<vmem>>, %arg9: memref<10240x128xf32, #tpu.memory_space<vmem_shared>>, %arg10: memref<!tpu.dma_semaphore, #tpu.memory_space<semaphore_mem>>) attributes {dimension_semantics = [#tpu.dimension_semantics<core_parallel>, #tpu.dimension_semantics<subcore_parallel>], iteration_bounds = array<i64: 2, 16>, scalar_prefetch = 0 : i64, scratch_operands = 5 : i64, tpu.core_type = #tpu.core_type<sc_vector_subcore>, window_params = [{transform_indices = #map}, {transform_indices = #map}, {transform_indices = #map}, {transform_indices = #map}]} {
    %mul3A = arith.constant 2 : i32
    %mul3A_0 = arith.muli %arg1, %mul3A : i32
    %add3A = arith.addi %mul3A_0, %arg0 : i32
    %broadcast_in_dim3A = arith.constant 0.000000e+00 : f32
    %broadcast_in_dim3A_1 = vector.broadcast %broadcast_in_dim3A : f32 to vector<16xf32>
    %scan3A = arith.constant 0 : i32
    %scan3A_2 = arith.constant 0 : i32
    %scan3A_3 = arith.constant 128 : i32
    %scan3A_4 = arith.addi %scan3A_2, %scan3A_3 : i32
    %scan3A_5 = arith.constant 1 : i32
    scf.for %scan3A_45 = %scan3A_2 to %scan3A_4 step %scan3A_5  : i32 {
      %swap3A = arith.index_cast %scan3A_45 : i32 to index
      %swap3A_46 = arith.constant 0 : index
      %swap3A_47 = tpu.vector_load %arg8[%swap3A, %swap3A_46] {strides = array<i32>} : memref<128x128xf32, #tpu.memory_space<vmem>>, vector<1x16xf32>,
      %swap3A_48 = vector.shape_cast %swap3A_47 : vector<1x16xf32> to vector<16xf32>
      %swap3A_49 = vector.shape_cast %broadcast_in_dim3A_1 : vector<16xf32> to vector<1x16xf32>
      tpu.vector_store %arg8[%swap3A, %swap3A_46], %swap3A_49 {strides = array<i32>} : memref<128x128xf32, #tpu.memory_space<vmem>>, vector<1x16xf32>,
      %swap3A_50 = arith.index_cast %scan3A_45 : i32 to index
      %swap3A_51 = arith.constant 16 : index
      %swap3A_52 = tpu.vector_load %arg8[%swap3A_50, %swap3A_51] {strides = array<i32>} : memref<128x128xf32, #tpu.memory_space<vmem>>, vector<1x16xf32>,
      %swap3A_53 = vector.shape_cast %swap3A_52 : vector<1x16xf32> to vector<16xf32>
      %swap3A_54 = vector.shape_cast %broadcast_in_dim3A_1 : vector<16xf32> to vector<1x16xf32>
      tpu.vector_store %arg8[%swap3A_50, %swap3A_51], %swap3A_54 {strides = array<i32>} : memref<128x128xf32, #tpu.memory_space<vmem>>, vector<1x16xf32>,
      %swap3A_55 = arith.index_cast %scan3A_45 : i32 to index
      %swap3A_56 = arith.constant 32 : index
      %swap3A_57 = tpu.vector_load %arg8[%swap3A_55, %swap3A_56] {strides = array<i32>} : memref<128x128xf32, #tpu.memory_space<vmem>>, vector<1x16xf32>,
      %swap3A_58 = vector.shape_cast %swap3A_57 : vector<1x16xf32> to vector<16xf32>
      %swap3A_59 = vector.shape_cast %broadcast_in_dim3A_1 : vector<16xf32> to vector<1x16xf32>
      tpu.vector_store %arg8[%swap3A_55, %swap3A_56], %swap3A_59 {strides = array<i32>} : memref<128x128xf32, #tpu.memory_space<vmem>>, vector<1x16xf32>,
      %swap3A_60 = arith.index_cast %scan3A_45 : i32 to index
      %swap3A_61 = arith.constant 48 : index
      %swap3A_62 = tpu.vector_load %arg8[%swap3A_60, %swap3A_61] {strides = array<i32>} : memref<128x128xf32, #tpu.memory_space<vmem>>, vector<1x16xf32>,
      %swap3A_63 = vector.shape_cast %swap3A_62 : vector<1x16xf32> to vector<16xf32>
      %swap3A_64 = vector.shape_cast %broadcast_in_dim3A_1 : vector<16xf32> to vector<1x16xf32>
      tpu.vector_store %arg8[%swap3A_60, %swap3A_61], %swap3A_64 {strides = array<i32>} : memref<128x128xf32, #tpu.memory_space<vmem>>, vector<1x16xf32>,
      %swap3A_65 = arith.index_cast %scan3A_45 : i32 to index
      %swap3A_66 = arith.constant 64 : index
      %swap3A_67 = tpu.vector_load %arg8[%swap3A_65, %swap3A_66] {strides = array<i32>} : memref<128x128xf32, #tpu.memory_space<vmem>>, vector<1x16xf32>,
      %swap3A_68 = vector.shape_cast %swap3A_67 : vector<1x16xf32> to vector<16xf32>
      %swap3A_69 = vector.shape_cast %broadcast_in_dim3A_1 : vector<16xf32> to vector<1x16xf32>
      tpu.vector_store %arg8[%swap3A_65, %swap3A_66], %swap3A_69 {strides = array<i32>} : memref<128x128xf32, #tpu.memory_space<vmem>>, vector<1x16xf32>,
      %swap3A_70 = arith.index_cast %scan3A_45 : i32 to index
      %swap3A_71 = arith.constant 80 : index
      %swap3A_72 = tpu.vector_load %arg8[%swap3A_70, %swap3A_71] {strides = array<i32>} : memref<128x128xf32, #tpu.memory_space<vmem>>, vector<1x16xf32>,
      %swap3A_73 = vector.shape_cast %swap3A_72 : vector<1x16xf32> to vector<16xf32>
      %swap3A_74 = vector.shape_cast %broadcast_in_dim3A_1 : vector<16xf32> to vector<1x16xf32>
      tpu.vector_store %arg8[%swap3A_70, %swap3A_71], %swap3A_74 {strides = array<i32>} : memref<128x128xf32, #tpu.memory_space<vmem>>, vector<1x16xf32>,
      %swap3A_75 = arith.index_cast %scan3A_45 : i32 to index
      %swap3A_76 = arith.constant 96 : index
      %swap3A_77 = tpu.vector_load %arg8[%swap3A_75, %swap3A_76] {strides = array<i32>} : memref<128x128xf32, #tpu.memory_space<vmem>>, vector<1x16xf32>,
      %swap3A_78 = vector.shape_cast %swap3A_77 : vector<1x16xf32> to vector<16xf32>
      %swap3A_79 = vector.shape_cast %broadcast_in_dim3A_1 : vector<16xf32> to vector<1x16xf32>
      tpu.vector_store %arg8[%swap3A_75, %swap3A_76], %swap3A_79 {strides = array<i32>} : memref<128x128xf32, #tpu.memory_space<vmem>>, vector<1x16xf32>,
      %swap3A_80 = arith.index_cast %scan3A_45 : i32 to index
      %swap3A_81 = arith.constant 112 : index
      %swap3A_82 = tpu.vector_load %arg8[%swap3A_80, %swap3A_81] {strides = array<i32>} : memref<128x128xf32, #tpu.memory_space<vmem>>, vector<1x16xf32>,
      %swap3A_83 = vector.shape_cast %swap3A_82 : vector<1x16xf32> to vector<16xf32>
      %swap3A_84 = vector.shape_cast %broadcast_in_dim3A_1 : vector<16xf32> to vector<1x16xf32>
      tpu.vector_store %arg8[%swap3A_80, %swap3A_81], %swap3A_84 {strides = array<i32>} : memref<128x128xf32, #tpu.memory_space<vmem>>, vector<1x16xf32>,
    }
    %scan3A_6 = arith.constant 128 : i32
    %mul3A_7 = arith.constant 640 : i32
    %mul3A_8 = arith.muli %arg1, %mul3A_7 : i32
    %add3A_9 = arith.constant 0 : i32
    %add3A_10 = arith.addi %mul3A_8, %add3A_9 : i32
    "tpu.region"() ({
      %run_scoped3A = tpu.sem_alloc : memref<!tpu.dma_semaphore, #tpu.memory_space<semaphore_mem>>
      %dma_start3A = arith.constant 0 : i32
      %dma_start3A_45 = tpu.memref_slice %arg9[%add3A_10, %dma_start3A] : memref<10240x128xf32, #tpu.memory_space<vmem_shared>> -> memref<128x128xf32, #tpu.memory_space<vmem_shared>>
      %dma_start3A_46 = arith.constant 0 : i32
      %dma_start3A_47 = tpu.memref_slice %arg9[%add3A_10, %dma_start3A_46] : memref<10240x128xf32, #tpu.memory_space<vmem_shared>> -> memref<128x128xf32, #tpu.memory_space<vmem_shared>>
      tpu.enqueue_dma source(%arg8 : memref<128x128xf32, #tpu.memory_space<vmem>>) target(%dma_start3A_47 : memref<128x128xf32, #tpu.memory_space<vmem_shared>>) target_semaphore(%run_scoped3A : memref<!tpu.dma_semaphore, #tpu.memory_space<semaphore_mem>>)
      %dma_wait3A = arith.constant 0 : i32
      %dma_wait3A_48 = tpu.memref_slice %arg9[%add3A_10, %dma_wait3A] : memref<10240x128xf32, #tpu.memory_space<vmem_shared>> -> memref<128x128xf32, #tpu.memory_space<vmem_shared>>
      %dma_wait3A_49 = arith.constant 0 : i32
      %dma_wait3A_50 = tpu.memref_slice %arg9[%add3A_10, %dma_wait3A_49] : memref<10240x128xf32, #tpu.memory_space<vmem_shared>> -> memref<128x128xf32, #tpu.memory_space<vmem_shared>>
      tpu.wait_dma2 semaphore(%run_scoped3A : memref<!tpu.dma_semaphore, #tpu.memory_space<semaphore_mem>>) src(%arg8 : memref<128x128xf32, #tpu.memory_space<vmem>>) dst(%dma_wait3A_50 : memref<128x128xf32, #tpu.memory_space<vmem_shared>>)
      tpu.yield
    }) : () -> ()
    %mul3A_11 = arith.constant 640 : i32
    %mul3A_12 = arith.muli %arg1, %mul3A_11 : i32
    %add3A_13 = arith.constant 128 : i32
    %add3A_14 = arith.addi %mul3A_12, %add3A_13 : i32
    "tpu.region"() ({
      %run_scoped3A = tpu.sem_alloc : memref<!tpu.dma_semaphore, #tpu.memory_space<semaphore_mem>>
      %dma_start3A = arith.constant 0 : i32
      %dma_start3A_45 = tpu.memref_slice %arg9[%add3A_14, %dma_start3A] : memref<10240x128xf32, #tpu.memory_space<vmem_shared>> -> memref<128x128xf32, #tpu.memory_space<vmem_shared>>
      %dma_start3A_46 = arith.constant 0 : i32
      %dma_start3A_47 = tpu.memref_slice %arg9[%add3A_14, %dma_start3A_46] : memref<10240x128xf32, #tpu.memory_space<vmem_shared>> -> memref<128x128xf32, #tpu.memory_space<vmem_shared>>
      tpu.enqueue_dma source(%arg8 : memref<128x128xf32, #tpu.memory_space<vmem>>) target(%dma_start3A_47 : memref<128x128xf32, #tpu.memory_space<vmem_shared>>) target_semaphore(%run_scoped3A : memref<!tpu.dma_semaphore, #tpu.memory_space<semaphore_mem>>)
      %dma_wait3A = arith.constant 0 : i32
      %dma_wait3A_48 = tpu.memref_slice %arg9[%add3A_14, %dma_wait3A] : memref<10240x128xf32, #tpu.memory_space<vmem_shared>> -> memref<128x128xf32, #tpu.memory_space<vmem_shared>>
      %dma_wait3A_49 = arith.constant 0 : i32
      %dma_wait3A_50 = tpu.memref_slice %arg9[%add3A_14, %dma_wait3A_49] : memref<10240x128xf32, #tpu.memory_space<vmem_shared>> -> memref<128x128xf32, #tpu.memory_space<vmem_shared>>
      tpu.wait_dma2 semaphore(%run_scoped3A : memref<!tpu.dma_semaphore, #tpu.memory_space<semaphore_mem>>) src(%arg8 : memref<128x128xf32, #tpu.memory_space<vmem>>) dst(%dma_wait3A_50 : memref<128x128xf32, #tpu.memory_space<vmem_shared>>)
      tpu.yield
    }) : () -> ()
    %mul3A_15 = arith.constant 640 : i32
    %mul3A_16 = arith.muli %arg1, %mul3A_15 : i32
    %add3A_17 = arith.constant 256 : i32
    %add3A_18 = arith.addi %mul3A_16, %add3A_17 : i32
    "tpu.region"() ({
      %run_scoped3A = tpu.sem_alloc : memref<!tpu.dma_semaphore, #tpu.memory_space<semaphore_mem>>
      %dma_start3A = arith.constant 0 : i32
      %dma_start3A_45 = tpu.memref_slice %arg9[%add3A_18, %dma_start3A] : memref<10240x128xf32, #tpu.memory_space<vmem_shared>> -> memref<128x128xf32, #tpu.memory_space<vmem_shared>>
      %dma_start3A_46 = arith.constant 0 : i32
      %dma_start3A_47 = tpu.memref_slice %arg9[%add3A_18, %dma_start3A_46] : memref<10240x128xf32, #tpu.memory_space<vmem_shared>> -> memref<128x128xf32, #tpu.memory_space<vmem_shared>>
      tpu.enqueue_dma source(%arg8 : memref<128x128xf32, #tpu.memory_space<vmem>>) target(%dma_start3A_47 : memref<128x128xf32, #tpu.memory_space<vmem_shared>>) target_semaphore(%run_scoped3A : memref<!tpu.dma_semaphore, #tpu.memory_space<semaphore_mem>>)
      %dma_wait3A = arith.constant 0 : i32
      %dma_wait3A_48 = tpu.memref_slice %arg9[%add3A_18, %dma_wait3A] : memref<10240x128xf32, #tpu.memory_space<vmem_shared>> -> memref<128x128xf32, #tpu.memory_space<vmem_shared>>
      %dma_wait3A_49 = arith.constant 0 : i32
      %dma_wait3A_50 = tpu.memref_slice %arg9[%add3A_18, %dma_wait3A_49] : memref<10240x128xf32, #tpu.memory_space<vmem_shared>> -> memref<128x128xf32, #tpu.memory_space<vmem_shared>>
      tpu.wait_dma2 semaphore(%run_scoped3A : memref<!tpu.dma_semaphore, #tpu.memory_space<semaphore_mem>>) src(%arg8 : memref<128x128xf32, #tpu.memory_space<vmem>>) dst(%dma_wait3A_50 : memref<128x128xf32, #tpu.memory_space<vmem_shared>>)
      tpu.yield
    }) : () -> ()
    %mul3A_19 = arith.constant 640 : i32
    %mul3A_20 = arith.muli %arg1, %mul3A_19 : i32
    %add3A_21 = arith.constant 384 : i32
    %add3A_22 = arith.addi %mul3A_20, %add3A_21 : i32
    "tpu.region"() ({
      %run_scoped3A = tpu.sem_alloc : memref<!tpu.dma_semaphore, #tpu.memory_space<semaphore_mem>>
      %dma_start3A = arith.constant 0 : i32
      %dma_start3A_45 = tpu.memref_slice %arg9[%add3A_22, %dma_start3A] : memref<10240x128xf32, #tpu.memory_space<vmem_shared>> -> memref<128x128xf32, #tpu.memory_space<vmem_shared>>
      %dma_start3A_46 = arith.constant 0 : i32
      %dma_start3A_47 = tpu.memref_slice %arg9[%add3A_22, %dma_start3A_46] : memref<10240x128xf32, #tpu.memory_space<vmem_shared>> -> memref<128x128xf32, #tpu.memory_space<vmem_shared>>
      tpu.enqueue_dma source(%arg8 : memref<128x128xf32, #tpu.memory_space<vmem>>) target(%dma_start3A_47 : memref<128x128xf32, #tpu.memory_space<vmem_shared>>) target_semaphore(%run_scoped3A : memref<!tpu.dma_semaphore, #tpu.memory_space<semaphore_mem>>)
      %dma_wait3A = arith.constant 0 : i32
      %dma_wait3A_48 = tpu.memref_slice %arg9[%add3A_22, %dma_wait3A] : memref<10240x128xf32, #tpu.memory_space<vmem_shared>> -> memref<128x128xf32, #tpu.memory_space<vmem_shared>>
      %dma_wait3A_49 = arith.constant 0 : i32
      %dma_wait3A_50 = tpu.memref_slice %arg9[%add3A_22, %dma_wait3A_49] : memref<10240x128xf32, #tpu.memory_space<vmem_shared>> -> memref<128x128xf32, #tpu.memory_space<vmem_shared>>
      tpu.wait_dma2 semaphore(%run_scoped3A : memref<!tpu.dma_semaphore, #tpu.memory_space<semaphore_mem>>) src(%arg8 : memref<128x128xf32, #tpu.memory_space<vmem>>) dst(%dma_wait3A_50 : memref<128x128xf32, #tpu.memory_space<vmem_shared>>)
      tpu.yield
    }) : () -> ()
    %mul3A_23 = arith.constant 640 : i32
    %mul3A_24 = arith.muli %arg1, %mul3A_23 : i32
    %add3A_25 = arith.constant 512 : i32
    %add3A_26 = arith.addi %mul3A_24, %add3A_25 : i32
    "tpu.region"() ({
      %run_scoped3A = tpu.sem_alloc : memref<!tpu.dma_semaphore, #tpu.memory_space<semaphore_mem>>
      %dma_start3A = arith.constant 0 : i32
      %dma_start3A_45 = tpu.memref_slice %arg9[%add3A_26, %dma_start3A] : memref<10240x128xf32, #tpu.memory_space<vmem_shared>> -> memref<128x128xf32, #tpu.memory_space<vmem_shared>>
      %dma_start3A_46 = arith.constant 0 : i32
      %dma_start3A_47 = tpu.memref_slice %arg9[%add3A_26, %dma_start3A_46] : memref<10240x128xf32, #tpu.memory_space<vmem_shared>> -> memref<128x128xf32, #tpu.memory_space<vmem_shared>>
      tpu.enqueue_dma source(%arg8 : memref<128x128xf32, #tpu.memory_space<vmem>>) target(%dma_start3A_47 : memref<128x128xf32, #tpu.memory_space<vmem_shared>>) target_semaphore(%run_scoped3A : memref<!tpu.dma_semaphore, #tpu.memory_space<semaphore_mem>>)
      %dma_wait3A = arith.constant 0 : i32
      %dma_wait3A_48 = tpu.memref_slice %arg9[%add3A_26, %dma_wait3A] : memref<10240x128xf32, #tpu.memory_space<vmem_shared>> -> memref<128x128xf32, #tpu.memory_space<vmem_shared>>
      %dma_wait3A_49 = arith.constant 0 : i32
      %dma_wait3A_50 = tpu.memref_slice %arg9[%add3A_26, %dma_wait3A_49] : memref<10240x128xf32, #tpu.memory_space<vmem_shared>> -> memref<128x128xf32, #tpu.memory_space<vmem_shared>>
      tpu.wait_dma2 semaphore(%run_scoped3A : memref<!tpu.dma_semaphore, #tpu.memory_space<semaphore_mem>>) src(%arg8 : memref<128x128xf32, #tpu.memory_space<vmem>>) dst(%dma_wait3A_50 : memref<128x128xf32, #tpu.memory_space<vmem_shared>>)
      tpu.yield
    }) : () -> ()
    %mul3A_27 = arith.constant 80 : i32
    %mul3A_28 = arith.muli %add3A, %mul3A_27 : i32
    "tpu.region"() ({
      %run_scoped3A = tpu.sem_alloc : memref<!tpu.dma_semaphore, #tpu.memory_space<semaphore_mem>>
      %dma_start3A = arith.constant 0 : i32
      %dma_start3A_45 = tpu.memref_slice %arg3[%mul3A_28, %dma_start3A] : memref<2560x128xi32, #tpu.memory_space<hbm>> -> memref<80x128xi32, #tpu.memory_space<hbm>>
      %dma_start3A_46 = arith.constant 0 : i32
      %dma_start3A_47 = tpu.memref_slice %arg3[%mul3A_28, %dma_start3A_46] : memref<2560x128xi32, #tpu.memory_space<hbm>> -> memref<80x128xi32, #tpu.memory_space<hbm>>
      tpu.enqueue_dma source(%dma_start3A_47 : memref<80x128xi32, #tpu.memory_space<hbm>>) target(%arg6 : memref<80x128xi32, #tpu.memory_space<vmem>>) target_semaphore(%run_scoped3A : memref<!tpu.dma_semaphore, #tpu.memory_space<semaphore_mem>>)
      %dma_wait3A = arith.constant 0 : i32
      %dma_wait3A_48 = tpu.memref_slice %arg3[%mul3A_28, %dma_wait3A] : memref<2560x128xi32, #tpu.memory_space<hbm>> -> memref<80x128xi32, #tpu.memory_space<hbm>>
      %dma_wait3A_49 = arith.constant 0 : i32
      %dma_wait3A_50 = tpu.memref_slice %arg3[%mul3A_28, %dma_wait3A_49] : memref<2560x128xi32, #tpu.memory_space<hbm>> -> memref<80x128xi32, #tpu.memory_space<hbm>>
      tpu.wait_dma2 semaphore(%run_scoped3A : memref<!tpu.dma_semaphore, #tpu.memory_space<semaphore_mem>>) src(%dma_wait3A_50 : memref<80x128xi32, #tpu.memory_space<hbm>>) dst(%arg6 : memref<80x128xi32, #tpu.memory_space<vmem>>)
      tpu.yield
    }) : () -> ()
    %mul3A_29 = arith.constant 80 : i32
    %mul3A_30 = arith.muli %add3A, %mul3A_29 : i32
    "tpu.region"() ({
      %run_scoped3A = tpu.sem_alloc : memref<!tpu.dma_semaphore, #tpu.memory_space<semaphore_mem>>
      %dma_start3A = arith.constant 0 : i32
      %dma_start3A_45 = tpu.memref_slice %arg4[%mul3A_30, %dma_start3A] : memref<2560x128xi32, #tpu.memory_space<hbm>> -> memref<80x128xi32, #tpu.memory_space<hbm>>
      %dma_start3A_46 = arith.constant 0 : i32
      %dma_start3A_47 = tpu.memref_slice %arg4[%mul3A_30, %dma_start3A_46] : memref<2560x128xi32, #tpu.memory_space<hbm>> -> memref<80x128xi32, #tpu.memory_space<hbm>>
      tpu.enqueue_dma source(%dma_start3A_47 : memref<80x128xi32, #tpu.memory_space<hbm>>) target(%arg7 : memref<80x128xi32, #tpu.memory_space<vmem>>) target_semaphore(%run_scoped3A : memref<!tpu.dma_semaphore, #tpu.memory_space<semaphore_mem>>)
      %dma_wait3A = arith.constant 0 : i32
      %dma_wait3A_48 = tpu.memref_slice %arg4[%mul3A_30, %dma_wait3A] : memref<2560x128xi32, #tpu.memory_space<hbm>> -> memref<80x128xi32, #tpu.memory_space<hbm>>
      %dma_wait3A_49 = arith.constant 0 : i32
      %dma_wait3A_50 = tpu.memref_slice %arg4[%mul3A_30, %dma_wait3A_49] : memref<2560x128xi32, #tpu.memory_space<hbm>> -> memref<80x128xi32, #tpu.memory_space<hbm>>
      tpu.wait_dma2 semaphore(%run_scoped3A : memref<!tpu.dma_semaphore, #tpu.memory_space<semaphore_mem>>) src(%dma_wait3A_50 : memref<80x128xi32, #tpu.memory_space<hbm>>) dst(%arg7 : memref<80x128xi32, #tpu.memory_space<vmem>>)
      tpu.yield
    }) : () -> ()
    %barrier3A = arith.constant 0 : index
    tpu.barrier barrier_id(%barrier3A)
    %scan3A_31 = arith.constant 0 : i32
    %scan3A_32 = arith.constant 0 : i32
    %scan3A_33 = arith.constant 80 : i32
    %scan3A_34 = arith.addi %scan3A_32, %scan3A_33 : i32
    %scan3A_35 = arith.constant 1 : i32
    scf.for %scan3A_45 = %scan3A_32 to %scan3A_34 step %scan3A_35  : i32 {
      %dma_start3A = arith.constant 0 : i32
      %dma_start3A_46 = tpu.memref_slice %arg6[%scan3A_45, %dma_start3A] : memref<80x128xi32, #tpu.memory_space<vmem>> -> memref<1x128xi32, #tpu.memory_space<vmem>>
      %dma_start3A_47 = tpu.memref_squeeze %dma_start3A_46 : memref<1x128xi32, #tpu.memory_space<vmem>> -> memref<128xi32, #tpu.memory_space<vmem>>
      %dma_start3A_48 = arith.constant 0 : i32
      %dma_start3A_49 = arith.constant 0 : i32
      %dma_start3A_50 = tpu.memref_slice %arg2[%dma_start3A_48, %dma_start3A_49] : memref<10240x128xf32, #tpu.memory_space<hbm>> -> memref<10240x128xf32, #tpu.memory_space<hbm>>
      tpu.enqueue_indirect_dma source(%dma_start3A_50 : memref<10240x128xf32, #tpu.memory_space<hbm>>) target(%arg8 : memref<128x128xf32, #tpu.memory_space<vmem>>) offsets(%dma_start3A_47 : memref<128xi32, #tpu.memory_space<vmem>>) semaphore(%arg10 : memref<!tpu.dma_semaphore, #tpu.memory_space<semaphore_mem>>)
      %dma_wait3A = arith.constant 0 : i32
      %dma_wait3A_51 = tpu.memref_slice %arg6[%scan3A_45, %dma_wait3A] : memref<80x128xi32, #tpu.memory_space<vmem>> -> memref<1x128xi32, #tpu.memory_space<vmem>>
      %dma_wait3A_52 = tpu.memref_squeeze %dma_wait3A_51 : memref<1x128xi32, #tpu.memory_space<vmem>> -> memref<128xi32, #tpu.memory_space<vmem>>
      %dma_wait3A_53 = arith.constant 0 : i32
      %dma_wait3A_54 = arith.constant 0 : i32
      %dma_wait3A_55 = tpu.memref_slice %arg2[%dma_wait3A_53, %dma_wait3A_54] : memref<10240x128xf32, #tpu.memory_space<hbm>> -> memref<10240x128xf32, #tpu.memory_space<hbm>>
      tpu.wait_indirect_dma semaphore(%arg10 : memref<!tpu.dma_semaphore, #tpu.memory_space<semaphore_mem>>) src(%dma_wait3A_55 : memref<10240x128xf32, #tpu.memory_space<hbm>>) dst(%arg8 : memref<128x128xf32, #tpu.memory_space<vmem>>)
      "tpu.region"() ({
        %run_scoped3A = tpu.sem_alloc : memref<!tpu.dma_semaphore, #tpu.memory_space<semaphore_mem>>
        %dma_start3A_56 = arith.constant 0 : i32
        %dma_start3A_57 = tpu.memref_slice %arg7[%scan3A_45, %dma_start3A_56] : memref<80x128xi32, #tpu.memory_space<vmem>> -> memref<1x128xi32, #tpu.memory_space<vmem>>
        %dma_start3A_58 = tpu.memref_squeeze %dma_start3A_57 : memref<1x128xi32, #tpu.memory_space<vmem>> -> memref<128xi32, #tpu.memory_space<vmem>>
        %dma_start3A_59 = arith.constant 0 : i32
        %dma_start3A_60 = arith.constant 0 : i32
        %dma_start3A_61 = tpu.memref_slice %arg9[%dma_start3A_59, %dma_start3A_60] : memref<10240x128xf32, #tpu.memory_space<vmem_shared>> -> memref<10240x128xf32, #tpu.memory_space<vmem_shared>>
        tpu.enqueue_indirect_dma source(%arg8 : memref<128x128xf32, #tpu.memory_space<vmem>>) target(%dma_start3A_61 : memref<10240x128xf32, #tpu.memory_space<vmem_shared>>) offsets(%dma_start3A_58 : memref<128xi32, #tpu.memory_space<vmem>>) semaphore(%run_scoped3A : memref<!tpu.dma_semaphore, #tpu.memory_space<semaphore_mem>>) {add = true}
        %dma_wait3A_62 = arith.constant 0 : i32
        %dma_wait3A_63 = tpu.memref_slice %arg7[%scan3A_45, %dma_wait3A_62] : memref<80x128xi32, #tpu.memory_space<vmem>> -> memref<1x128xi32, #tpu.memory_space<vmem>>
        %dma_wait3A_64 = tpu.memref_squeeze %dma_wait3A_63 : memref<1x128xi32, #tpu.memory_space<vmem>> -> memref<128xi32, #tpu.memory_space<vmem>>
        %dma_wait3A_65 = arith.constant 0 : i32
        %dma_wait3A_66 = arith.constant 0 : i32
        %dma_wait3A_67 = tpu.memref_slice %arg9[%dma_wait3A_65, %dma_wait3A_66] : memref<10240x128xf32, #tpu.memory_space<vmem_shared>> -> memref<10240x128xf32, #tpu.memory_space<vmem_shared>>
        tpu.wait_indirect_dma semaphore(%run_scoped3A : memref<!tpu.dma_semaphore, #tpu.memory_space<semaphore_mem>>) src(%arg8 : memref<128x128xf32, #tpu.memory_space<vmem>>) dst(%dma_wait3A_67 : memref<10240x128xf32, #tpu.memory_space<vmem_shared>>)
        tpu.yield
      }) : () -> ()
    }
    %scan3A_36 = arith.constant 80 : i32
    %barrier3A_37 = arith.constant 0 : index
    tpu.barrier barrier_id(%barrier3A_37)
    %mul3A_38 = arith.constant 640 : i32
    %mul3A_39 = arith.muli %arg1, %mul3A_38 : i32
    %mul3A_40 = arith.constant 10240 : i32
    %mul3A_41 = arith.muli %arg0, %mul3A_40 : i32
    %mul3A_42 = arith.constant 640 : i32
    %mul3A_43 = arith.muli %arg1, %mul3A_42 : i32
    %add3A_44 = arith.addi %mul3A_41, %mul3A_43 : i32
    "tpu.region"() ({
      %run_scoped3A = tpu.sem_alloc : memref<!tpu.dma_semaphore, #tpu.memory_space<semaphore_mem>>
      %dma_start3A = arith.constant 0 : i32
      %dma_start3A_45 = tpu.memref_slice %arg5[%add3A_44, %dma_start3A] : memref<20480x128xf32, #tpu.memory_space<hbm>> -> memref<640x128xf32, #tpu.memory_space<hbm>>
      %dma_start3A_46 = arith.constant 0 : i32
      %dma_start3A_47 = tpu.memref_slice %arg9[%mul3A_39, %dma_start3A_46] : memref<10240x128xf32, #tpu.memory_space<vmem_shared>> -> memref<640x128xf32, #tpu.memory_space<vmem_shared>>
      tpu.enqueue_dma source(%dma_start3A_47 : memref<640x128xf32, #tpu.memory_space<vmem_shared>>) target(%dma_start3A_45 : memref<640x128xf32, #tpu.memory_space<hbm>>) target_semaphore(%run_scoped3A : memref<!tpu.dma_semaphore, #tpu.memory_space<semaphore_mem>>)
      %dma_wait3A = arith.constant 0 : i32
      %dma_wait3A_48 = tpu.memref_slice %arg5[%add3A_44, %dma_wait3A] : memref<20480x128xf32, #tpu.memory_space<hbm>> -> memref<640x128xf32, #tpu.memory_space<hbm>>
      %dma_wait3A_49 = arith.constant 0 : i32
      %dma_wait3A_50 = tpu.memref_slice %arg9[%mul3A_39, %dma_wait3A_49] : memref<10240x128xf32, #tpu.memory_space<vmem_shared>> -> memref<640x128xf32, #tpu.memory_space<vmem_shared>>
      tpu.wait_dma2 semaphore(%run_scoped3A : memref<!tpu.dma_semaphore, #tpu.memory_space<semaphore_mem>>) src(%dma_wait3A_50 : memref<640x128xf32, #tpu.memory_space<vmem_shared>>) dst(%dma_wait3A_48 : memref<640x128xf32, #tpu.memory_space<hbm>>)
      tpu.yield
    }) : () -> ()
    return
  }
}

module attributes {stable_mosaic.version = 14 : i64} {
  func.func @_dense1_body(%arg0: i32, %arg1: memref<512x128xf32, #tpu.memory_space<vmem>>, %arg2: memref<128x128xf32, #tpu.memory_space<vmem>>, %arg3: memref<128x128xf32, #tpu.memory_space<vmem>>, %arg4: memref<1x128xf32, #tpu.memory_space<vmem>>, %arg5: memref<512x128xf32, #tpu.memory_space<vmem>>, %arg6: memref<512x128xf32, #tpu.memory_space<vmem>>) attributes {dimension_semantics = [#tpu.dimension_semantics<arbitrary>], iteration_bounds = array<i64: 20>, scalar_prefetch = 0 : i64, scratch_operands = 0 : i64, tpu.core_type = #tpu.core_type<tc>, window_params = [{transform_indices = @transform_0, window_bounds = array<i64: 512, 128>}, {pipeline_mode = #tpu.pipeline_mode<synchronous>, transform_indices = @transform_1, window_bounds = array<i64: 128, 128>}, {pipeline_mode = #tpu.pipeline_mode<synchronous>, transform_indices = @transform_2, window_bounds = array<i64: 128, 128>}, {pipeline_mode = #tpu.pipeline_mode<synchronous>, transform_indices = @transform_3, window_bounds = array<i64: 1, 128>}, {transform_indices = @transform_4, window_bounds = array<i64: 512, 128>}, {transform_indices = @transform_5, window_bounds = array<i64: 512, 128>}]} {
    %get3A = arith.constant 0 : index
    %get3A_0 = arith.constant 0 : index
    %get3A_1 = vector.load %arg1[%get3A, %get3A_0] : memref<512x128xf32, #tpu.memory_space<vmem>>, vector<512x128xf32>
    %get3A_2 = arith.constant 0 : index
    %get3A_3 = arith.constant 0 : index
    %get3A_4 = vector.load %arg2[%get3A_2, %get3A_3] : memref<128x128xf32, #tpu.memory_space<vmem>>, vector<128x128xf32>
    %dot_general3A = arith.constant dense<0.000000e+00> : vector<512x128xf32>
    %dot_general3A_5 = tpu.matmul %get3A_1, %get3A_4, %dot_general3A {dimension_numbers = #tpu.dot_dimension_numbers<[1], [0], [0], [1], [0, 0, 1, 1], [], []>, transpose_lhs_hint = false} : vector<512x128xf32>, vector<128x128xf32>, vector<512x128xf32> -> vector<512x128xf32>
    %swap3A = arith.constant 0 : index
    %swap3A_6 = arith.constant 0 : index
    %swap3A_7 = vector.load %arg5[%swap3A, %swap3A_6] : memref<512x128xf32, #tpu.memory_space<vmem>>, vector<512x128xf32>
    tpu.vector_store %arg5[%swap3A, %swap3A_6], %dot_general3A_5 {strides = array<i32>} : memref<512x128xf32, #tpu.memory_space<vmem>>, vector<512x128xf32>,
    %get3A_8 = arith.constant 0 : index
    %get3A_9 = arith.constant 0 : index
    %get3A_10 = vector.load %arg3[%get3A_8, %get3A_9] : memref<128x128xf32, #tpu.memory_space<vmem>>, vector<128x128xf32>
    %dot_general3A_11 = arith.constant dense<0.000000e+00> : vector<512x128xf32>
    %dot_general3A_12 = tpu.matmul %get3A_1, %get3A_10, %dot_general3A_11 {dimension_numbers = #tpu.dot_dimension_numbers<[1], [0], [0], [1], [0, 0, 1, 1], [], []>, transpose_lhs_hint = false} : vector<512x128xf32>, vector<128x128xf32>, vector<512x128xf32> -> vector<512x128xf32>
    %get3A_13 = arith.constant 0 : index
    %get3A_14 = arith.constant 0 : index
    %get3A_15 = vector.load %arg4[%get3A_13, %get3A_14] : memref<1x128xf32, #tpu.memory_space<vmem>>, vector<1x128xf32>
    %add3A = vector.broadcast %get3A_15 : vector<1x128xf32> to vector<512x128xf32>
    %add3A_16 = arith.addf %dot_general3A_12, %add3A : vector<512x128xf32>
    %swap3A_17 = arith.constant 0 : index
    %swap3A_18 = arith.constant 0 : index
    %swap3A_19 = vector.load %arg6[%swap3A_17, %swap3A_18] : memref<512x128xf32, #tpu.memory_space<vmem>>, vector<512x128xf32>
    tpu.vector_store %arg6[%swap3A_17, %swap3A_18], %add3A_16 {strides = array<i32>} : memref<512x128xf32, #tpu.memory_space<vmem>>, vector<512x128xf32>,
    return
  }
  func.func @transform_0(%arg0: i32) -> (i32, i32) {
    %c0_i32 = arith.constant 0 : i32
    %c0_i32_0 = arith.constant 0 : i32
    return %arg0, %c0_i32 : i32, i32
  }
  func.func @transform_1(%arg0: i32) -> (i32, i32) {
    %c0_i32 = arith.constant 0 : i32
    %c0_i32_0 = arith.constant 0 : i32
    %c0_i32_1 = arith.constant 0 : i32
    return %c0_i32, %c0_i32_0 : i32, i32
  }
  func.func @transform_2(%arg0: i32) -> (i32, i32) {
    %c0_i32 = arith.constant 0 : i32
    %c0_i32_0 = arith.constant 0 : i32
    %c0_i32_1 = arith.constant 0 : i32
    return %c0_i32, %c0_i32_0 : i32, i32
  }
  func.func @transform_3(%arg0: i32) -> (i32, i32) {
    %c0_i32 = arith.constant 0 : i32
    %c0_i32_0 = arith.constant 0 : i32
    %c0_i32_1 = arith.constant 0 : i32
    return %c0_i32, %c0_i32_0 : i32, i32
  }
  func.func @transform_4(%arg0: i32) -> (i32, i32) {
    %c0_i32 = arith.constant 0 : i32
    %c0_i32_0 = arith.constant 0 : i32
    return %arg0, %c0_i32 : i32, i32
  }
  func.func @transform_5(%arg0: i32) -> (i32, i32) {
    %c0_i32 = arith.constant 0 : i32
    %c0_i32_0 = arith.constant 0 : i32
    return %arg0, %c0_i32 : i32, i32
  }
}

module attributes {stable_mosaic.version = 14 : i64} {
  func.func @_dense2_body(%arg0: i32, %arg1: memref<2x512x128xf32, #tpu.memory_space<vmem>>, %arg2: memref<2x512x1xf32, #tpu.memory_space<vmem>>, %arg3: memref<512x128xf32, #tpu.memory_space<vmem>>, %arg4: memref<128x128xf32, #tpu.memory_space<vmem>>, %arg5: memref<128x128xf32, #tpu.memory_space<vmem>>, %arg6: memref<1x128xf32, #tpu.memory_space<vmem>>, %arg7: memref<512x128xf32, #tpu.memory_space<vmem>>, %arg8: memref<512x128xf32, #tpu.memory_space<vmem>>) attributes {dimension_semantics = [#tpu.dimension_semantics<arbitrary>], iteration_bounds = array<i64: 20>, scalar_prefetch = 0 : i64, scratch_operands = 0 : i64, tpu.core_type = #tpu.core_type<tc>, window_params = [{transform_indices = @transform_0, window_bounds = array<i64: 2, 512, 128>}, {transform_indices = @transform_1, window_bounds = array<i64: 2, 512, 1>}, {transform_indices = @transform_2, window_bounds = array<i64: 512, 128>}, {pipeline_mode = #tpu.pipeline_mode<synchronous>, transform_indices = @transform_3, window_bounds = array<i64: 128, 128>}, {pipeline_mode = #tpu.pipeline_mode<synchronous>, transform_indices = @transform_4, window_bounds = array<i64: 128, 128>}, {pipeline_mode = #tpu.pipeline_mode<synchronous>, transform_indices = @transform_5, window_bounds = array<i64: 1, 128>}, {transform_indices = @transform_6, window_bounds = array<i64: 512, 128>}, {transform_indices = @transform_7, window_bounds = array<i64: 512, 128>}]} {
    %get3A = arith.constant 0 : index
    %get3A_0 = arith.constant 0 : index
    %get3A_1 = arith.constant 0 : index
    %get3A_2 = vector.load %arg1[%get3A, %get3A_0, %get3A_1] : memref<2x512x128xf32, #tpu.memory_space<vmem>>, vector<1x512x128xf32>
    %get3A_3 = vector.shape_cast %get3A_2 : vector<1x512x128xf32> to vector<512x128xf32>
    %get3A_4 = arith.constant 1 : index
    %get3A_5 = arith.constant 0 : index
    %get3A_6 = arith.constant 0 : index
    %get3A_7 = vector.load %arg1[%get3A_4, %get3A_5, %get3A_6] : memref<2x512x128xf32, #tpu.memory_space<vmem>>, vector<1x512x128xf32>
    %get3A_8 = vector.shape_cast %get3A_7 : vector<1x512x128xf32> to vector<512x128xf32>
    %add3A = arith.addf %get3A_3, %get3A_8 : vector<512x128xf32>
    %get3A_9 = arith.constant 0 : index
    %get3A_10 = arith.constant 0 : index
    %get3A_11 = arith.constant 0 : index
    %get3A_12 = vector.load %arg2[%get3A_9, %get3A_10, %get3A_11] : memref<2x512x1xf32, #tpu.memory_space<vmem>>, vector<1x512x1xf32>
    %get3A_13 = vector.shape_cast %get3A_12 : vector<1x512x1xf32> to vector<512x1xf32>
    %get3A_14 = arith.constant 1 : index
    %get3A_15 = arith.constant 0 : index
    %get3A_16 = arith.constant 0 : index
    %get3A_17 = vector.load %arg2[%get3A_14, %get3A_15, %get3A_16] : memref<2x512x1xf32, #tpu.memory_space<vmem>>, vector<1x512x1xf32>
    %get3A_18 = vector.shape_cast %get3A_17 : vector<1x512x1xf32> to vector<512x1xf32>
    %add3A_19 = arith.addf %get3A_13, %get3A_18 : vector<512x1xf32>
    %max3A = arith.constant 1.000000e+00 : f32
    %max3A_20 = vector.broadcast %max3A : f32 to vector<512x1xf32>
    %max3A_21 = arith.maximumf %add3A_19, %max3A_20 : vector<512x1xf32>
    %get3A_22 = arith.constant 0 : index
    %get3A_23 = arith.constant 0 : index
    %get3A_24 = vector.load %arg3[%get3A_22, %get3A_23] : memref<512x128xf32, #tpu.memory_space<vmem>>, vector<512x128xf32>
    %div3A = vector.broadcast %max3A_21 : vector<512x1xf32> to vector<512x128xf32>
    %div3A_25 = arith.divf %add3A, %div3A : vector<512x128xf32>
    %add3A_26 = arith.addf %get3A_24, %div3A_25 : vector<512x128xf32>
    %logistic3A = arith.negf %add3A_26 : vector<512x128xf32>
    %logistic3A_27 = math.exp %logistic3A : vector<512x128xf32>
    %logistic3A_28 = arith.constant 1.000000e+00 : f32
    %logistic3A_29 = vector.broadcast %logistic3A_28 : f32 to vector<512x128xf32>
    %logistic3A_30 = arith.addf %logistic3A_29, %logistic3A_27 : vector<512x128xf32>
    %logistic3A_31 = arith.divf %logistic3A_29, %logistic3A_30 : vector<512x128xf32>
    %get3A_32 = arith.constant 0 : index
    %get3A_33 = arith.constant 0 : index
    %get3A_34 = vector.load %arg4[%get3A_32, %get3A_33] : memref<128x128xf32, #tpu.memory_space<vmem>>, vector<128x128xf32>
    %dot_general3A = arith.constant dense<0.000000e+00> : vector<512x128xf32>
    %dot_general3A_35 = tpu.matmul %logistic3A_31, %get3A_34, %dot_general3A {dimension_numbers = #tpu.dot_dimension_numbers<[1], [0], [0], [1], [0, 0, 1, 1], [], []>, transpose_lhs_hint = false} : vector<512x128xf32>, vector<128x128xf32>, vector<512x128xf32> -> vector<512x128xf32>
    %swap3A = arith.constant 0 : index
    %swap3A_36 = arith.constant 0 : index
    %swap3A_37 = vector.load %arg7[%swap3A, %swap3A_36] : memref<512x128xf32, #tpu.memory_space<vmem>>, vector<512x128xf32>
    tpu.vector_store %arg7[%swap3A, %swap3A_36], %dot_general3A_35 {strides = array<i32>} : memref<512x128xf32, #tpu.memory_space<vmem>>, vector<512x128xf32>,
    %get3A_38 = arith.constant 0 : index
    %get3A_39 = arith.constant 0 : index
    %get3A_40 = vector.load %arg5[%get3A_38, %get3A_39] : memref<128x128xf32, #tpu.memory_space<vmem>>, vector<128x128xf32>
    %dot_general3A_41 = arith.constant dense<0.000000e+00> : vector<512x128xf32>
    %dot_general3A_42 = tpu.matmul %logistic3A_31, %get3A_40, %dot_general3A_41 {dimension_numbers = #tpu.dot_dimension_numbers<[1], [0], [0], [1], [0, 0, 1, 1], [], []>, transpose_lhs_hint = false} : vector<512x128xf32>, vector<128x128xf32>, vector<512x128xf32> -> vector<512x128xf32>
    %get3A_43 = arith.constant 0 : index
    %get3A_44 = arith.constant 0 : index
    %get3A_45 = vector.load %arg6[%get3A_43, %get3A_44] : memref<1x128xf32, #tpu.memory_space<vmem>>, vector<1x128xf32>
    %add3A_46 = vector.broadcast %get3A_45 : vector<1x128xf32> to vector<512x128xf32>
    %add3A_47 = arith.addf %dot_general3A_42, %add3A_46 : vector<512x128xf32>
    %swap3A_48 = arith.constant 0 : index
    %swap3A_49 = arith.constant 0 : index
    %swap3A_50 = vector.load %arg8[%swap3A_48, %swap3A_49] : memref<512x128xf32, #tpu.memory_space<vmem>>, vector<512x128xf32>
    tpu.vector_store %arg8[%swap3A_48, %swap3A_49], %add3A_47 {strides = array<i32>} : memref<512x128xf32, #tpu.memory_space<vmem>>, vector<512x128xf32>,
    return
  }
  func.func @transform_0(%arg0: i32) -> (i32, i32, i32) {
    %c0_i32 = arith.constant 0 : i32
    %c0_i32_0 = arith.constant 0 : i32
    %c0_i32_1 = arith.constant 0 : i32
    return %c0_i32, %arg0, %c0_i32_0 : i32, i32, i32
  }
  func.func @transform_1(%arg0: i32) -> (i32, i32, i32) {
    %c0_i32 = arith.constant 0 : i32
    %c0_i32_0 = arith.constant 0 : i32
    %c0_i32_1 = arith.constant 0 : i32
    return %c0_i32, %arg0, %c0_i32_0 : i32, i32, i32
  }
  func.func @transform_2(%arg0: i32) -> (i32, i32) {
    %c0_i32 = arith.constant 0 : i32
    %c0_i32_0 = arith.constant 0 : i32
    return %arg0, %c0_i32 : i32, i32
  }
  func.func @transform_3(%arg0: i32) -> (i32, i32) {
    %c0_i32 = arith.constant 0 : i32
    %c0_i32_0 = arith.constant 0 : i32
    %c0_i32_1 = arith.constant 0 : i32
    return %c0_i32, %c0_i32_0 : i32, i32
  }
  func.func @transform_4(%arg0: i32) -> (i32, i32) {
    %c0_i32 = arith.constant 0 : i32
    %c0_i32_0 = arith.constant 0 : i32
    %c0_i32_1 = arith.constant 0 : i32
    return %c0_i32, %c0_i32_0 : i32, i32
  }
  func.func @transform_5(%arg0: i32) -> (i32, i32) {
    %c0_i32 = arith.constant 0 : i32
    %c0_i32_0 = arith.constant 0 : i32
    %c0_i32_1 = arith.constant 0 : i32
    return %c0_i32, %c0_i32_0 : i32, i32
  }
  func.func @transform_6(%arg0: i32) -> (i32, i32) {
    %c0_i32 = arith.constant 0 : i32
    %c0_i32_0 = arith.constant 0 : i32
    return %arg0, %c0_i32 : i32, i32
  }
  func.func @transform_7(%arg0: i32) -> (i32, i32) {
    %c0_i32 = arith.constant 0 : i32
    %c0_i32_0 = arith.constant 0 : i32
    return %arg0, %c0_i32 : i32, i32
  }
}

module attributes {stable_mosaic.version = 14 : i64} {
  func.func @_readout_body(%arg0: memref<2x10240x128xf32, #tpu.memory_space<vmem>>, %arg1: memref<2x10240x1xf32, #tpu.memory_space<vmem>>, %arg2: memref<10240x128xf32, #tpu.memory_space<vmem>>, %arg3: memref<1x128xf32, #tpu.memory_space<vmem>>, %arg4: memref<1x1xf32, #tpu.memory_space<vmem>>, %arg5: memref<128x128xf32, #tpu.memory_space<vmem>>, %arg6: memref<128x128xf32, #tpu.memory_space<vmem>>, %arg7: memref<1x128xf32, #tpu.memory_space<vmem>>, %arg8: memref<1x128xf32, #tpu.memory_space<vmem>>, %arg9: memref<1x1xf32, #tpu.memory_space<vmem>>, %arg10: memref<1x1xf32, #tpu.memory_space<vmem>>) attributes {dimension_semantics = [], scalar_prefetch = 0 : i64, scratch_operands = 0 : i64, tpu.core_type = #tpu.core_type<tc>} {
    %get3A = arith.constant 0 : index
    %get3A_0 = arith.constant 0 : index
    %get3A_1 = arith.constant 0 : index
    %get3A_2 = vector.load %arg0[%get3A, %get3A_0, %get3A_1] : memref<2x10240x128xf32, #tpu.memory_space<vmem>>, vector<1x10240x128xf32>
    %get3A_3 = vector.shape_cast %get3A_2 : vector<1x10240x128xf32> to vector<10240x128xf32>
    %get3A_4 = arith.constant 1 : index
    %get3A_5 = arith.constant 0 : index
    %get3A_6 = arith.constant 0 : index
    %get3A_7 = vector.load %arg0[%get3A_4, %get3A_5, %get3A_6] : memref<2x10240x128xf32, #tpu.memory_space<vmem>>, vector<1x10240x128xf32>
    %get3A_8 = vector.shape_cast %get3A_7 : vector<1x10240x128xf32> to vector<10240x128xf32>
    %add3A = arith.addf %get3A_3, %get3A_8 : vector<10240x128xf32>
    %get3A_9 = arith.constant 0 : index
    %get3A_10 = arith.constant 0 : index
    %get3A_11 = arith.constant 0 : index
    %get3A_12 = vector.load %arg1[%get3A_9, %get3A_10, %get3A_11] : memref<2x10240x1xf32, #tpu.memory_space<vmem>>, vector<1x10240x1xf32>
    %get3A_13 = vector.shape_cast %get3A_12 : vector<1x10240x1xf32> to vector<10240x1xf32>
    %get3A_14 = arith.constant 1 : index
    %get3A_15 = arith.constant 0 : index
    %get3A_16 = arith.constant 0 : index
    %get3A_17 = vector.load %arg1[%get3A_14, %get3A_15, %get3A_16] : memref<2x10240x1xf32, #tpu.memory_space<vmem>>, vector<1x10240x1xf32>
    %get3A_18 = vector.shape_cast %get3A_17 : vector<1x10240x1xf32> to vector<10240x1xf32>
    %add3A_19 = arith.addf %get3A_13, %get3A_18 : vector<10240x1xf32>
    %max3A = arith.constant 1.000000e+00 : f32
    %max3A_20 = vector.broadcast %max3A : f32 to vector<10240x1xf32>
    %max3A_21 = arith.maximumf %add3A_19, %max3A_20 : vector<10240x1xf32>
    %get3A_22 = arith.constant 0 : index
    %get3A_23 = arith.constant 0 : index
    %get3A_24 = vector.load %arg2[%get3A_22, %get3A_23] : memref<10240x128xf32, #tpu.memory_space<vmem>>, vector<10240x128xf32>
    %div3A = vector.broadcast %max3A_21 : vector<10240x1xf32> to vector<10240x128xf32>
    %div3A_25 = arith.divf %add3A, %div3A : vector<10240x128xf32>
    %add3A_26 = arith.addf %get3A_24, %div3A_25 : vector<10240x128xf32>
    %logistic3A = arith.negf %add3A_26 : vector<10240x128xf32>
    %logistic3A_27 = math.exp %logistic3A : vector<10240x128xf32>
    %logistic3A_28 = arith.constant 1.000000e+00 : f32
    %logistic3A_29 = vector.broadcast %logistic3A_28 : f32 to vector<10240x128xf32>
    %logistic3A_30 = arith.addf %logistic3A_29, %logistic3A_27 : vector<10240x128xf32>
    %logistic3A_31 = arith.divf %logistic3A_29, %logistic3A_30 : vector<10240x128xf32>
    %iota3A = tpu.iota {dimensions = array<i32: 0>} : vector<10240x1xi32>
    %lt3A = arith.constant 10000 : i32
    %lt3A_32 = vector.broadcast %lt3A : i32 to vector<10240x1xi32>
    %lt3A_33 = arith.cmpi slt, %iota3A, %lt3A_32 : vector<10240x1xi32>
    %get3A_34 = arith.constant 0 : index
    %get3A_35 = arith.constant 0 : index
    %get3A_36 = vector.load %arg3[%get3A_34, %get3A_35] : memref<1x128xf32, #tpu.memory_space<vmem>>, vector<1x128xf32>
    %mul3A = vector.broadcast %get3A_36 : vector<1x128xf32> to vector<10240x128xf32>
    %mul3A_37 = arith.mulf %logistic3A_31, %mul3A : vector<10240x128xf32>
    %reduce_sum3A = arith.constant dense<0.000000e+00> : vector<10240xf32>
    %reduce_sum3A_38 = vector.multi_reduction <add>, %mul3A_37, %reduce_sum3A [1] : vector<10240x128xf32> to vector<10240xf32>
    %broadcast_in_dim3A = vector.shape_cast %reduce_sum3A_38 : vector<10240xf32> to vector<10240x1xf32>
    %get3A_39 = arith.constant 0 : index
    %get3A_40 = arith.constant 0 : index
    %get3A_41 = vector.load %arg4[%get3A_39, %get3A_40] : memref<1x1xf32, #tpu.memory_space<vmem>>, vector<1x1xf32>
    %get3A_42 = vector.extract %get3A_41[0, 0] : f32 from vector<1x1xf32>
    %add3A_43 = vector.broadcast %get3A_42 : f32 to vector<10240x1xf32>
    %add3A_44 = arith.addf %broadcast_in_dim3A, %add3A_43 : vector<10240x1xf32>
    %logistic3A_45 = arith.negf %add3A_44 : vector<10240x1xf32>
    %logistic3A_46 = math.exp %logistic3A_45 : vector<10240x1xf32>
    %logistic3A_47 = arith.constant 1.000000e+00 : f32
    %logistic3A_48 = vector.broadcast %logistic3A_47 : f32 to vector<10240x1xf32>
    %logistic3A_49 = arith.addf %logistic3A_48, %logistic3A_46 : vector<10240x1xf32>
    %logistic3A_50 = arith.divf %logistic3A_48, %logistic3A_49 : vector<10240x1xf32>
    %jit3A = arith.constant 0.000000e+00 : f32
    %broadcast_in_dim3A_51 = vector.broadcast %jit3A : f32 to vector<10240x1xf32>
    %select_n3A = arith.select %lt3A_33, %logistic3A_50, %broadcast_in_dim3A_51 : vector<10240x1xi1>, vector<10240x1xf32>
    %mul3A_52 = vector.broadcast %select_n3A : vector<10240x1xf32> to vector<10240x128xf32>
    %mul3A_53 = arith.mulf %mul3A_52, %logistic3A_31 : vector<10240x128xf32>
    %reduce_sum3A_54 = arith.constant dense<0.000000e+00> : vector<128xf32>
    %reduce_sum3A_55 = vector.multi_reduction <add>, %mul3A_53, %reduce_sum3A_54 [0] : vector<10240x128xf32> to vector<128xf32>
    %broadcast_in_dim3A_56 = vector.shape_cast %reduce_sum3A_55 : vector<128xf32> to vector<1x128xf32>
    %jit3A_57 = arith.constant 0xFF800000 : f32
    %broadcast_in_dim3A_58 = vector.shape_cast %lt3A_33 : vector<10240x1xi1> to vector<10240x1xi1>
    %broadcast_in_dim3A_59 = vector.broadcast %broadcast_in_dim3A_58 : vector<10240x1xi1> to vector<10240x128xi1>
    %broadcast_in_dim3A_60 = vector.broadcast %jit3A_57 : f32 to vector<10240x128xf32>
    %select_n3A_61 = arith.select %broadcast_in_dim3A_59, %logistic3A_31, %broadcast_in_dim3A_60 : vector<10240x128xi1>, vector<10240x128xf32>
    %reduce_max3A = arith.constant dense<0xFF800000> : vector<128xf32>
    %reduce_max3A_62 = vector.multi_reduction <maximumf>, %select_n3A_61, %reduce_max3A [0] : vector<10240x128xf32> to vector<128xf32>
    %broadcast_in_dim3A_63 = vector.shape_cast %reduce_max3A_62 : vector<128xf32> to vector<1x128xf32>
    %get3A_64 = arith.constant 0 : index
    %get3A_65 = arith.constant 0 : index
    %get3A_66 = vector.load %arg5[%get3A_64, %get3A_65] : memref<128x128xf32, #tpu.memory_space<vmem>>, vector<128x128xf32>
    %dot_general3A = arith.constant dense<0.000000e+00> : vector<1x128xf32>
    %dot_general3A_67 = tpu.matmul %broadcast_in_dim3A_56, %get3A_66, %dot_general3A {dimension_numbers = #tpu.dot_dimension_numbers<[1], [0], [0], [1], [0, 0, 1, 1], [], []>, transpose_lhs_hint = false} : vector<1x128xf32>, vector<128x128xf32>, vector<1x128xf32> -> vector<1x128xf32>
    %get3A_68 = arith.constant 0 : index
    %get3A_69 = arith.constant 0 : index
    %get3A_70 = vector.load %arg6[%get3A_68, %get3A_69] : memref<128x128xf32, #tpu.memory_space<vmem>>, vector<128x128xf32>
    %dot_general3A_71 = arith.constant dense<0.000000e+00> : vector<1x128xf32>
    %dot_general3A_72 = tpu.matmul %broadcast_in_dim3A_63, %get3A_70, %dot_general3A_71 {dimension_numbers = #tpu.dot_dimension_numbers<[1], [0], [0], [1], [0, 0, 1, 1], [], []>, transpose_lhs_hint = false} : vector<1x128xf32>, vector<128x128xf32>, vector<1x128xf32> -> vector<1x128xf32>
    %add3A_73 = arith.addf %dot_general3A_67, %dot_general3A_72 : vector<1x128xf32>
    %get3A_74 = arith.constant 0 : index
    %get3A_75 = arith.constant 0 : index
    %get3A_76 = vector.load %arg7[%get3A_74, %get3A_75] : memref<1x128xf32, #tpu.memory_space<vmem>>, vector<1x128xf32>
    %add3A_77 = arith.addf %add3A_73, %get3A_76 : vector<1x128xf32>
    %logistic3A_78 = arith.negf %add3A_77 : vector<1x128xf32>
    %logistic3A_79 = math.exp %logistic3A_78 : vector<1x128xf32>
    %logistic3A_80 = arith.constant 1.000000e+00 : f32
    %logistic3A_81 = vector.broadcast %logistic3A_80 : f32 to vector<1x128xf32>
    %logistic3A_82 = arith.addf %logistic3A_81, %logistic3A_79 : vector<1x128xf32>
    %logistic3A_83 = arith.divf %logistic3A_81, %logistic3A_82 : vector<1x128xf32>
    %get3A_84 = arith.constant 0 : index
    %get3A_85 = arith.constant 0 : index
    %get3A_86 = vector.load %arg8[%get3A_84, %get3A_85] : memref<1x128xf32, #tpu.memory_space<vmem>>, vector<1x128xf32>
    %mul3A_87 = arith.mulf %logistic3A_83, %get3A_86 : vector<1x128xf32>
    %reduce_sum3A_88 = arith.constant dense<0.000000e+00> : vector<1xf32>
    %reduce_sum3A_89 = vector.multi_reduction <add>, %mul3A_87, %reduce_sum3A_88 [1] : vector<1x128xf32> to vector<1xf32>
    %broadcast_in_dim3A_90 = vector.shape_cast %reduce_sum3A_89 : vector<1xf32> to vector<1x1xf32>
    %get3A_91 = arith.constant 0 : index
    %get3A_92 = arith.constant 0 : index
    %get3A_93 = vector.load %arg9[%get3A_91, %get3A_92] : memref<1x1xf32, #tpu.memory_space<vmem>>, vector<1x1xf32>
    %add3A_94 = arith.addf %broadcast_in_dim3A_90, %get3A_93 : vector<1x1xf32>
    %logistic3A_95 = arith.negf %add3A_94 : vector<1x1xf32>
    %logistic3A_96 = math.exp %logistic3A_95 : vector<1x1xf32>
    %logistic3A_97 = arith.constant 1.000000e+00 : f32
    %logistic3A_98 = vector.broadcast %logistic3A_97 : f32 to vector<1x1xf32>
    %logistic3A_99 = arith.addf %logistic3A_98, %logistic3A_96 : vector<1x1xf32>
    %logistic3A_100 = arith.divf %logistic3A_98, %logistic3A_99 : vector<1x1xf32>
    %swap3A = arith.constant 0 : index
    %swap3A_101 = arith.constant 0 : index
    %swap3A_102 = vector.load %arg10[%swap3A, %swap3A_101] : memref<1x1xf32, #tpu.memory_space<vmem>>, vector<1x1xf32>
    tpu.vector_store %arg10[%swap3A, %swap3A_101], %logistic3A_100 {strides = array<i32>} : memref<1x1xf32, #tpu.memory_space<vmem>>, vector<1x1xf32>,
    return
  }
}

</mosaic_0001>

<sc_bundles>
// kernel: kernel.10.cloned.1.call-start
scs
__scs_entry_jumppad:
0x0: {  	(pc) =	sbr.rel $0x88, $3  }
0x1: {  	(tag) =	ssettag $0x0;
	lr =	simm.s32 $0x1  }
0x2: {  	[smem:$0x3F93] =	sst lr;
	_ =	strace $0xD0000000  }
0x3: {  	_ = 	snop  }
0x4: {  	_ = 	snop  }
0x5: {  	_ = 	snop  }
0x6: {  	_ = 	snop  }
0x7: {  	_ = 	snop  }
__scs_overlays_trampoline_lowered:
0x8: {  	[smem:$0x3FA2] =	sst s0  }
0x9: {  	[smem:$0x3FA3] =	sst s1  }
0xa: {  	[smem:$0x3FA4] =	sst s2  }
0xb: {  	[smem:$0x3FA5] =	sst s3  }
0xc: {  	[smem:$0x3FA6] =	sst s4  }
0xd: {  	[smem:$0x3FA7] =	sst s5  }
0xe: {  	[smem:$0x3FA8] =	sst s6  }
0xf: {  	[smem:$0x3FA9] =	sst s7  }
0x10: {  	[smem:$0x3FAA] =	sst s8  }
0x11: {  	[smem:$0x3FAB] =	sst s9;
	s0 =	simm.s32 @!p0 $0x0  }
0x12: {  	s1 =	sld [smem:$0x3F91];
	s0 =	simm.s32 @p0 $0x1  }
0x13: {  	[smem:$0x3FAC] =	sst s0;
	s0 =	simm.s32 @!p1 $0x0  }
0x14: {  	s2 =	sld [smem:$0x3F90];
	s0 =	simm.s32 @p1 $0x1  }
0x15: {  	[smem:$0x3FAD] =	sst s0;
	s0 =	simm.s32 @!p2 $0x0  }
0x16: {  	s3 =	sld [smem:$0x3FDB];
	s0 =	simm.s32 @p2 $0x1  }
0x17: {  	s4 =	simm.s32 $0x1BF5;
	[smem:$0x3FAF] =	sst s0  }
0x18: {  	s0 =	sld [smem:$0x3F92];
	_ =	swait.ge [sflag:s4], $0x0  }
0x19: {  	s7 =	sld [smem:$0x3F93]  }
0x1a: {  	s8 =	sadd.s32 $0xFFFFE003, lr  }
0x1b: {  	s9 =	sadd.s32 $0xFFFFFEF7, lr;
	s5 =	simm.s32 $0xFFFFFFFF;
	p2 =	slt.u32 s8, $0xFFFFF086  }
0x1c: {  	p1 =	slt.u32 s9, $0xF7A;
	s5 =	simm.s32 @!p2 $0x0  }
0x1d: {  	s5 =	simm.s32 @p1 $0x1;
	p0 =	seq.s32 s7, s2  }
0x1e: {  	s7 =	smul.u32 @!p0 $0xF7A, s2;
	p2 =	seq.s32 @!p0 s5, $0x0  }
0x1f: {  	s9 =	smul.u32 $0xF7A, s1;
	s8 =	simm.s32 @!p0 $0x1BF5;
	p2 =	por !p2, p0  }
0x20: {  	[sflag:s8] =	ssyncset.s32 @!p0 $0xFFFFF086;
	s6 =	sadd.s32 @!p0 s3, s7;
	s7 =	simm.s32 @!p0 $0x108  }
0x21: {  	s3 =	sadd.s32 s3, s9;
	s6 =	sadd.s32 @!p0 $0x88, s6;
	s7 =	simm.s32 @p2 $0x1082  }
0x22: {  	[simem:s7], [sflag:s8] =	dma.local @!p0 [hbm:s6], $0xF7A  }
0x23: {  	s9 =	sor.u32 $0xD0000000, s2;
	s6 =	simm.s32 $0x108;
	_ =	swait.ge @!p0 [sflag:s8], $0x0  }
0x24: {  	s3 =	sadd.s32 $0x88, s3;
	s6 =	simm.s32 @!p1 $0x1082;
	[sflag:s4] =	ssyncset.s32 $0xFFFFF086  }
0x25: {  	[simem:s6], [sflag:s4] =	dma.local [hbm:s3], $0xF7A  }
0x26: {  	[smem:$0x3F93] =	sst s1;
	(tag) =	ssettag s2;
	_ =	strace s9  }
0x27: {  	s1 =	sld [smem:$0x3FA3]  }
0x28: {  	s2 =	sld [smem:$0x3FA4]  }
0x29: {  	s4 =	sld [smem:$0x3FA6]  }
0x2a: {  	p0 =	seq.s32 s5, $0x0;
	s5 =	sld [smem:$0x3FA7]  }
0x2b: {  	s6 =	sld [smem:$0x3FA8]  }
0x2c: {  	s7 =	sld [smem:$0x3FA9]  }
0x2d: {  	s3 =	simm.s32 $0x108;
	s8 =	sld [smem:$0x3FAA]  }
0x2e: {  	s3 =	simm.s32 @!p0 $0x1082;
	s9 =	sld [smem:$0x3FAB]  }
0x2f: {  	lr =	sadd.s32 s0, s3;
	s0 =	sld [smem:$0x3FA2]  }
0x30: {  	s3 =	sld [smem:$0x3FA5]  }
0x31: {  	[smem:$0x3FAE] =	sst s10  }
0x32: {  	s10 =	sld [smem:$0x3FAC];
	_ =	sdelay $0x3  }
0x33: {  	p0 =	seq.s32 s10, $0x1;
	s10 =	sld [smem:$0x3FAE];
	_ =	sdelay $0x3  }
0x34: {  	[smem:$0x3FAE] =	sst s10  }
0x35: {  	s10 =	sld [smem:$0x3FAD];
	_ =	sdelay $0x3  }
0x36: {  	p1 =	seq.s32 s10, $0x1;
	s10 =	sld [smem:$0x3FAE];
	_ =	sdelay $0x3  }
0x37: {  	[smem:$0x3FAE] =	sst s10  }
0x38: {  	s10 =	sld [smem:$0x3FAF]  }
0x39: {  	_ = 	snop;
	(pc) =	sbr.ind lr, $3  }
0x3a: {  	_ = 	snop  }
0x3b: {  	_ = 	snop  }
0x3c: {  	p2 =	seq.s32 s10, $0x1;
	s10 =	sld [smem:$0x3FAE]  }
0x3d: {  	_ =	shalt  }
0x3e: {  	_ =	shalt  }
0x3f: {  	_ =	shalt  }
0x40: {  	_ =	shalt  }
0x41: {  	_ =	shalt  }
0x42: {  	_ =	shalt  }
0x43: {  	_ =	shalt  }
0x44: {  	_ =	shalt  }
0x45: {  	_ =	shalt  }
0x46: {  	_ =	shalt  }
0x47: {  	_ =	shalt  }
0x48: {  	_ =	shalt  }
0x49: {  	_ =	shalt  }
0x4a: {  	_ =	shalt  }
0x4b: {  	_ =	shalt  }
0x4c: {  	_ =	shalt  }
0x4d: {  	_ =	shalt  }
0x4e: {  	_ =	shalt  }
0x4f: {  	_ =	shalt  }
0x50: {  	_ =	shalt  }
0x51: {  	_ =	shalt  }
0x52: {  	_ =	shalt  }
0x53: {  	_ =	shalt  }
0x54: {  	_ =	shalt  }
0x55: {  	_ =	shalt  }
0x56: {  	_ =	shalt  }
0x57: {  	_ =	shalt  }
0x58: {  	_ =	shalt  }
0x59: {  	_ =	shalt  }
0x5a: {  	_ =	shalt  }
0x5b: {  	_ =	shalt  }
0x5c: {  	_ =	shalt  }
0x5d: {  	_ =	shalt  }
0x5e: {  	_ =	shalt  }
0x5f: {  	_ =	shalt  }
0x60: {  	_ =	shalt  }
0x61: {  	_ =	shalt  }
0x62: {  	_ =	shalt  }
0x63: {  	_ =	shalt  }
0x64: {  	_ =	shalt  }
0x65: {  	_ =	shalt  }
0x66: {  	_ =	shalt  }
0x67: {  	_ =	shalt  }
0x68: {  	_ =	shalt  }
0x69: {  	_ =	shalt  }
0x6a: {  	_ =	shalt  }
0x6b: {  	_ =	shalt  }
0x6c: {  	_ =	shalt  }
0x6d: {  	_ =	shalt  }
0x6e: {  	_ =	shalt  }
0x6f: {  	_ =	shalt  }
0x70: {  	_ =	shalt  }
0x71: {  	_ =	shalt  }
0x72: {  	_ =	shalt  }
0x73: {  	_ =	shalt  }
0x74: {  	_ =	shalt  }
0x75: {  	_ =	shalt  }
0x76: {  	_ =	shalt  }
0x77: {  	_ =	shalt  }
0x78: {  	_ =	shalt  }
0x79: {  	_ =	shalt  }
0x7a: {  	_ =	shalt  }
0x7b: {  	_ =	shalt  }
0x7c: {  	_ =	shalt  }
0x7d: {  	_ =	shalt  }
0x7e: {  	_ =	shalt  }
0x7f: {  	_ =	shalt  }
0x80: {  	_ =	shalt  }
0x81: {  	_ =	shalt  }
0x82: {  	_ =	shalt  }
0x83: {  	_ =	shalt  }
0x84: {  	_ =	shalt  }
0x85: {  	_ =	shalt  }
0x86: {  	_ =	shalt  }
0x87: {  	_ =	shalt  }
.Lfunc_end0:
.L_simem_size_0:
called_computation.1_lowered:
.L_overlay_start_0:
0x88: {  	s2 =	sld [smem:$0x3FD9]  }
0x89: {  	s3 =	sld [smem:$0x3FFE];
	_ =	sdelay $0x1  }
0x8a: {  	s1 =	srdreg.scid  }
0x8b: {  	s0 =	sand.u32 $0x1, s1  }
0x8c: {  	s16 =	sshll.u32 s0, $0xA;
	s2 =	sadd.s32 s3, s2  }
0x8d: {  	s2 =	sadd.s32 s2, s16  }
0x8e: {  	[smem:$0x3FBA] =	sst s2  }
0x8f: {  	_ = 	snop  }
0x90: {  	(tm) =	ssettm $0x1  }
0x91: {  	s17 =	sld [smem:$0x3FFB];
	_ =	sdelay $0x3  }
0x92: {  	_ =	strace s17  }
0x93: {  	s2 =	sld [smem:$0x3FFC];
	_ =	sdelay $0x3  }
0x94: {  	_ =	strace s2  }
0x95: {  	s2 =	sld [smem:$0x3FFD];
	_ =	sdelay $0x3  }
0x96: {  	_ =	strace s2  }
0x97: {  	_ =	strace $0x8FFFFFFF  }
0x98: {  	s18 =	sld [smem:$0x3FDB];
	_ =	sdelay $0x1  }
0x99: {  	s19 =	simm.s32 $_scs_section_size  }
0x9a: {  	s4 =	simm.s32 $_size__tile_overlayer_lowered;
	s5 =	simm.s32 $_tile_overlayer_lowered  }
0x9b: {  	s22 =	simm.s32 $0x1BFF;
	s21 =	sshll.u32 s5, $0x1;
	s2 =	sadd.s32 s19, s18  }
0x9c: {  	s6 =	simm.s32 $0x0;
	s20 =	sshll.u32 s4, $0x1;
	s4 =	sadd.s32 s21, s2  }
0x9d: {  	[timem:s6], [sflag:s22] =	dma.local [hbm:s4], s20  }
0x9e: {  	_ =	swait.ge [sflag:s22], s20  }
0x9f: {  	s3 =	ssub.s32 $0x0, s20;
	[sflag:s22] =	ssyncset.done $0x0  }
0xa0: {  	[sflag:s22] =	ssyncadd.s32 s3;
	_ =	sdelay $0x1  }
0xa1: {  	s23 =	simm.s32 $0x1B8B  }
0xa2: {  	_ =	swait.ge [sflag:s23], $0x1  }
0xa3: {  	[sflag:s23] =	ssyncset.done $0x0  }
0xa4: {  	s25 =	simm.s32 $0x1B8E;
	s24 =	sld [smem:$0x3FFE];
	[sflag:s23] =	ssyncadd.s32 $0xFFFFFFFF  }
0xa5: {  	s26 =	simm.s32 $execute0_lowered;
	[smem:$0x3FD2] =	sst s25  }
0xa6: {  	s4 =	sshll.u32 s26, $0x1;
	_ =	strace $0x80000049;
	[dreg:$0x1] =	wrdreg $0xFFFFFFFF  }
0xa7: {  	s28 =	simm.s32 $_size_execute0_lowered;
	s2 =	sadd.s32 s2, s4;
	[dreg:$0x0] =	wrdreg $0x0  }
0xa8: {  	s4 =	sshll.u32 s28, $0x1;
	[dreg:$0x2] =	wrdreg s2  }
0xa9: {  	[dreg:$0x3] =	wrdreg s4  }
0xaa: {  	[dreg:$0x4] =	wrdreg $0xC0  }
0xab: {  	_ =	task [dreg:s6], $0x5FFFF  }
0xac: {  	[dreg:$0x1] =	wrdreg $0xFFFFFFFF  }
0xad: {  	[dreg:$0x0] =	wrdreg $0x60  }
0xae: {  	[dreg:$0x2] =	wrdreg s24  }
0xaf: {  	[dreg:$0x3] =	wrdreg $0x90000  }
0xb0: {  	[dreg:$0x4] =	wrdreg $0x9  }
0xb1: {  	_ =	task.clear_ibuf [dreg:s6], $0x5FFFF;
	_ =	strace $0x90000049  }
0xb2: {  	s29 =	simm.s32 $0x9;
	_ =	strace $0x8000004B  }
0xb3: {  	_ =	swait.ge [sflag:s29], $0x1  }
0xb4: {  	[sflag:s29] =	ssyncadd.s32 $0xFFFFFFFF  }
0xb5: {  	_ =	strace $0x9000004B  }
0xb6: {  	_ =	sfence  }
0xb7: {  	s30 =	sld [smem:$0x0];
	_ =	sdelay $0x2  }
0xb8: {  	s31 =	sshll.u32 s1, $0xD;
	s1 =	sshrl.u32 s1, $0x2  }
0xb9: {  	s3 =	sand.u32 $0x4000, s31;
	s1 =	sadd.s32 s1, s30  }
0xba: {  	s0 =	sor.u32 s3, s0;
	s1 =	sshll.u32 s1, $0x11  }
0xbb: {  	s0 =	sor.u32 s1, s0  }
0xbc: {  	s0 =	sadd.s32 $0x8F2B, s0  }
0xbd: {  	[sflag:s0] =	ssyncadd.remote.s32 $0x1  }
0xbe: {  	_ =	sfence.sel $0xFFFF  }
0xbf: {  	[dreg:$0x0] =	wrdreg $0xFFFFFFFF;
	(pc) =	sbr.abs _section_cstart, $3  }
0xc0: {  	[dreg:$0x1] =	wrdreg $0xFFFFFFFF  }
0xc1: {  	_ =	task.clear_ibuf [dreg:s6], $0x2FFFF;
	_ =	strace $0x9FFFFFFF  }
0xc2: {  	(tm) =	ssettm $0x7FFFFFFF  }
0xc3: {  	_ =	shalt  }
tec
execute0_lowered:
.L_overlay_start_1:
0x0: {  	(tag) =	ssettag $0x1  }
0x1: {  	s1 =	srdreg.scid;
	s6 =	rddreg [dreg:$0x0]  }
0x2: {  	s0 =	stileid.u32;
	s2 =	rddreg [dreg:$0x1]  }
0x3: {  	s3 =	simm.s32 $0x0;
	s14 =	simm.s32 $0x5000;
	s15 =	simm.s32 $0x2  }
0x4: {  	s16 =	simm.s32 $0x2800;
	s17 =	simm.s32 $0x80;
	s18 =	simm.s32 $0x1  }
0x5: {  	s5 =	sand.u32 $0x1, s1;
	s28 =	sshll.u32 s0, $0x1;
	s8 =	smul.u32 $0x2800, s0  }
0x6: {  	[smem:$0x7FF] =	sst s3;
	s9 =	smul.u32 $0x50000, s0;
	s4 =	sadd.s32 $0x16C00, s6  }
0x7: {  	s19 =	sshll.u32 s0, $0x6;
	s1 =	sor.u32 s5, s28;
	s10 =	smul.u32 $0x28000, s5  }
0x8: {  	s29 =	ssub.s32 $0x2, s5;
	s19 =	sor.u32 $0x1C02, s19;
	s7 =	smul.u32 $0x500, s1  }
0x9: {  	s1 =	rddreg [dreg:$0x2];
	_ =	strace $0x8000004A;
	s30 =	sshrl.u32 s9, $0x2  }
0xa: {  	s31 =	sshrl.u32 s29, $0x1;
	s8 =	sadd.s32 s8, s10;
	s5 =	sadd.s32 s30, s2  }
0xb: {  	s13 =	ssub.s32 s29, s31;
	s11 =	sadd.s32 s7, s6;
	s12 =	sadd.s32 s8, s6  }
0xc: {  	s6 =	sadd.s32 $0x4000, s5;
	s7 =	sadd.s32 $0x8000, s5;
	s8 =	sadd.s32 $0xC000, s5  }
0xd: {  	s9 =	sadd.s32 $0x10000, s5;
	s13 =	smax.u32 s13, $0x1;
	s20 =	sshrl.u32 s5, $0x3  }
0xe: {  	v0 =	vimm.f32 $0.0e+00;
	s10 =	sadd.s32 $0x2C00, s11;
	s11 =	sadd.s32 $0xCC00, s11;
	s12 =	sadd.s32 $0x3EC00, s12  }
.LBB2_1:
0xf: {  	s21 =	simm.s32 $0x0;
	s22 =	simm.s32 $0x200  }
.LBB2_2:
0x10: {  	p0 =	sne.s32 s22, $0xFE00;
	[tilespmem:s21+$0x5070] =	vst v0  }
0x11: {  	[tilespmem:s21+$0x5000] =	vst v0  }
0x12: {  	[tilespmem:s21+$0x5010] =	vst v0  }
.Ltmp0:
0x13: {  	[tilespmem:s21+$0x5020] =	vst v0;
	(pc) =	sbr.rel @p0 .LBB2_2-.Ltmp0, $4  }
0x14: {  	[tilespmem:s21+$0x5030] =	vst v0  }
0x15: {  	[tilespmem:s21+$0x5040] =	vst v0  }
0x16: {  	[tilespmem:s21+$0x5050] =	vst v0  }
0x17: {  	[tilespmem:s21+$0x5060] =	vst v0;
	s21 =	sshra.s32 s22, $0x2;
	s22 =	sadd.s32 $0x200, s22  }
0x18: {  	[tilespmem:s21+$0x5070] =	vst v0  }
0x19: {  	[tilespmem:s21+$0x5000] =	vst v0  }
0x1a: {  	[tilespmem:s21+$0x5010] =	vst v0  }
0x1b: {  	[tilespmem:s21+$0x5020] =	vst v0  }
0x1c: {  	[tilespmem:s21+$0x5030] =	vst v0  }
0x1d: {  	[tilespmem:s21+$0x5040] =	vst v0  }
0x1e: {  	[tilespmem:s21+$0x5050] =	vst v0  }
0x1f: {  	[tilespmem:s21+$0x5060] =	vst v0  }
0x20: {  	[spmem:s5] =	stream.linear.scatter [tilespmem:s14], [sflag:$0x2], $0x4000, $0x38;
	[tilespmem:$0x1D000] =	vst v63  }
0x21: {  	_ =	swait.ge [sflag:s15], $0x4000  }
0x22: {  	[sflag:s15] =	ssyncset.done $0x0  }
0x23: {  	[sflag:s15] =	ssyncadd.s32 $0xFFFFC000  }
0x24: {  	[spmem:s6] =	stream.linear.scatter [tilespmem:s14], [sflag:$0x2], $0x4000, $0x38;
	[tilespmem:$0x1D000] =	vst v63  }
0x25: {  	_ =	swait.ge [sflag:s15], $0x4000  }
0x26: {  	[sflag:s15] =	ssyncset.done $0x0  }
0x27: {  	[sflag:s15] =	ssyncadd.s32 $0xFFFFC000  }
0x28: {  	[spmem:s7] =	stream.linear.scatter [tilespmem:s14], [sflag:$0x2], $0x4000, $0x38;
	[tilespmem:$0x1D000] =	vst v63  }
0x29: {  	_ =	swait.ge [sflag:s15], $0x4000  }
0x2a: {  	[sflag:s15] =	ssyncset.done $0x0  }
0x2b: {  	[sflag:s15] =	ssyncadd.s32 $0xFFFFC000  }
0x2c: {  	[spmem:s8] =	stream.linear.scatter [tilespmem:s14], [sflag:$0x2], $0x4000, $0x38;
	[tilespmem:$0x1D000] =	vst v63  }
0x2d: {  	_ =	swait.ge [sflag:s15], $0x4000  }
0x2e: {  	[sflag:s15] =	ssyncset.done $0x0  }
0x2f: {  	[sflag:s15] =	ssyncadd.s32 $0xFFFFC000  }
0x30: {  	[spmem:s9] =	stream.linear.scatter [tilespmem:s14], [sflag:$0x2], $0x4000, $0x38;
	[tilespmem:$0x1D000] =	vst v63  }
0x31: {  	_ =	swait.ge [sflag:s15], $0x4000  }
0x32: {  	[sflag:s15] =	ssyncset.done $0x0  }
0x33: {  	s29 =	simm.s32 $0x0;
	[sflag:s15] =	ssyncadd.s32 $0xFFFFC000  }
0x34: {  	[tilespmem:s29], [sflag:$0x2] =	stream.linear.gather [hbm4b:s10+s29], $0x2800, $0x38;
	[tilespmem:$0x1D000] =	vst v63  }
0x35: {  	_ =	swait.ge [sflag:s15], $0x2800  }
0x36: {  	[sflag:s15] =	ssyncset.done $0x0  }
0x37: {  	[sflag:s15] =	ssyncadd.s32 $0xFFFFD800  }
0x38: {  	[tilespmem:s16], [sflag:$0x2] =	stream.linear.gather [hbm4b:s11+s29], $0x2800, $0x38;
	[tilespmem:$0x1D000] =	vst v63  }
0x39: {  	_ =	swait.ge [sflag:s15], $0x2800  }
0x3a: {  	[sflag:s15] =	ssyncset.done $0x0  }
0x3b: {  	[sflag:s15] =	ssyncadd.s32 $0xFFFFD800  }
0x3c: {  	s30 =	simm.s32 $0x0;
	[bflag:$0x0] =	sbarrier.arrive $0xFFFF  }
0x3d: {  	[tilespmem:s14], [sflag:$0x1] =	stream.indirect.gather [hbm4b:s4+s17], $0x80, s30, s17, $0xb8;
	[tilespmem:$0x1D000] =	vst v63  }
0x3e: {  	_ =	swait.ge [sflag:s18], $0x4000  }
0x3f: {  	[sflag:s18] =	ssyncset.done $0x0  }
0x40: {  	s31 =	simm.s32 $0x2800;
	[sflag:s18] =	ssyncadd.s32 $0xFFFFC000  }
0x41: {  	[spmem:s2] =	stream.indirect.scatter.add.f32 [tilespmem:s14], [sflag:$0x2], $0x80, s31, s17, $0xb8;
	[tilespmem:$0x1D000] =	vst v63  }
0x42: {  	_ =	swait.ge [sflag:s15], $0x4000  }
0x43: {  	s21 =	simm.s32 $0x200;
	s22 =	simm.s32 $0x400;
	[sflag:s15] =	ssyncset.done $0x0  }
.LBB2_4:
0x44: {  	s23 =	sshra.s32 s21, $0x2  }
0x45: {  	[sflag:s15] =	ssyncadd.s32 $0xFFFFC000;
	s21 =	smov.u32 s22;
	s24 =	sadd.s32 $0x200, s22  }
0x46: {  	[tilespmem:s14], [sflag:$0x1] =	stream.indirect.gather [hbm4b:s4+s17], $0x80, s23, s17, $0xb8;
	[tilespmem:$0x1D000] =	vst v63  }
0x47: {  	p0 =	sne.s32 s22, $0x9E00;
	_ =	swait.ge [sflag:s18], $0x4000  }
.Ltmp1:
0x48: {  	[sflag:s18] =	ssyncset.done $0x0;
	(pc) =	sbr.rel @p0 .LBB2_4-.Ltmp1, $4  }
0x49: {  	s22 =	sadd.s32 $0x2800, s23;
	[sflag:s18] =	ssyncadd.s32 $0xFFFFC000  }
0x4a: {  	[spmem:s2] =	stream.indirect.scatter.add.f32 [tilespmem:s14], [sflag:$0x2], $0x80, s22, s17, $0xb8;
	[tilespmem:$0x1D000] =	vst v63  }
0x4b: {  	_ =	swait.ge [sflag:s15], $0x4000  }
0x4c: {  	s22 =	smov.u32 s24;
	[sflag:s15] =	ssyncset.done $0x0  }
0x4d: {  	s21 =	sshra.s32 s21, $0x2;
	[sflag:s15] =	ssyncadd.s32 $0xFFFFC000  }
0x4e: {  	[tilespmem:s14], [sflag:$0x1] =	stream.indirect.gather [hbm4b:s4+s17], $0x80, s21, s17, $0xb8;
	[tilespmem:$0x1D000] =	vst v63  }
0x4f: {  	_ =	swait.ge [sflag:s18], $0x4000  }
0x50: {  	[sflag:s18] =	ssyncset.done $0x0  }
0x51: {  	s21 =	sadd.s32 $0x2800, s21;
	[sflag:s18] =	ssyncadd.s32 $0xFFFFC000  }
0x52: {  	[spmem:s2] =	stream.indirect.scatter.add.f32 [tilespmem:s14], [sflag:$0x2], $0x80, s21, s17, $0xb8;
	[tilespmem:$0x1D000] =	vst v63  }
0x53: {  	_ =	swait.ge [sflag:s15], $0x4000  }
0x54: {  	s3 =	sadd.s32 $0x1, s3;
	[sflag:s15] =	ssyncset.done $0x0  }
0x55: {  	p0 =	sne.s32 s3, s13;
	[sflag:s15] =	ssyncadd.s32 $0xFFFFC000  }
.Ltmp2:
0x56: {  	[bflag:$0x0] =	sbarrier.arrive $0xFFFF;
	(pc) =	sbr.rel @p0 .LBB2_1-.Ltmp2, $4  }
0x57: {  	[hbm:s12], [sflag:s19] =	dma.local [spmem:s20], $0x2800  }
0x58: {  	_ =	swait.ge [sflag:s15], $0x2800  }
0x59: {  	[sflag:s15] =	ssyncset.done $0x0  }
0x5a: {  	[sflag:s15] =	ssyncadd.s32 $0xFFFFD800  }
0x5b: {  	_ =	sfence.sel $0x180000  }
0x5c: {  	[bflag:$0x0] =	sbarrier.arrive $0xFFFF  }
0x5d: {  	p0 =	sne.s32 s0, $0x0;
	_ =	strace $0x9000004A  }
0x5e: {  	s0 =	sadd.s32 @!p0 $0x100000, s1;
	[bflag:$0x2] =	sbarrier.arrive $0xFFFF  }
0x5f: {  	[sflag:s0] =	ssyncadd.tile.s32 @!p0 $0x1;
	_ =	shalt  }
.Lfunc_end2:
_tile_overlayer_lowered:
.L_overlay_start_2:
0x60: {  	(tag) =	ssettag $0x2  }
0x61: {  	s0 =	rddreg [dreg:$0x0];
	s2 =	stileid.u32  }
0x62: {  	s1 =	rddreg [dreg:$0x1];
	p0 =	sne.s32 s2, $0x0  }
0x63: {  	s3 =	rddreg [dreg:$0x2];
	[bflag:$0x3] =	sbarrier.arrive $0xFFFF;
	s2 =	simm.s32 @!p0 $0x1C02  }
0x64: {  	[timem:s3], [sflag:s2] =	dma.local @!p0 [hbm:s0], s1  }
0x65: {  	s0 =	simm.s32 @!p0 $0x2  }
0x66: {  	_ =	swait.ge @!p0 [sflag:s0], s1  }
0x67: {  	s1 =	ssub.s32 @!p0 $0x0, s1;
	[sflag:s0] =	ssyncset.done @!p0 $0x0  }
0x68: {  	[sflag:s0] =	ssyncadd.s32 @!p0 s1  }
0x69: {  	[bflag:$0x3] =	sbarrier.arrive $0xFFFF  }
0x6a: {  	_ =	shalt  }

// kernel: kernel.7.cloned.1.call-start
scs
__scs_entry_jumppad:
0x0: {  	(pc) =	sbr.rel $0x88, $3  }
0x1: {  	(tag) =	ssettag $0x0;
	lr =	simm.s32 $0x1  }
0x2: {  	[smem:$0x3F93] =	sst lr;
	_ =	strace $0xD0000000  }
0x3: {  	_ = 	snop  }
0x4: {  	_ = 	snop  }
0x5: {  	_ = 	snop  }
0x6: {  	_ = 	snop  }
0x7: {  	_ = 	snop  }
__scs_overlays_trampoline_lowered:
0x8: {  	[smem:$0x3FA2] =	sst s0  }
0x9: {  	[smem:$0x3FA3] =	sst s1  }
0xa: {  	[smem:$0x3FA4] =	sst s2  }
0xb: {  	[smem:$0x3FA5] =	sst s3  }
0xc: {  	[smem:$0x3FA6] =	sst s4  }
0xd: {  	[smem:$0x3FA7] =	sst s5  }
0xe: {  	[smem:$0x3FA8] =	sst s6  }
0xf: {  	[smem:$0x3FA9] =	sst s7  }
0x10: {  	[smem:$0x3FAA] =	sst s8  }
0x11: {  	[smem:$0x3FAB] =	sst s9;
	s0 =	simm.s32 @!p0 $0x0  }
0x12: {  	s1 =	sld [smem:$0x3F91];
	s0 =	simm.s32 @p0 $0x1  }
0x13: {  	[smem:$0x3FAC] =	sst s0;
	s0 =	simm.s32 @!p1 $0x0  }
0x14: {  	s2 =	sld [smem:$0x3F90];
	s0 =	simm.s32 @p1 $0x1  }
0x15: {  	[smem:$0x3FAD] =	sst s0;
	s0 =	simm.s32 @!p2 $0x0  }
0x16: {  	s3 =	sld [smem:$0x3FDB];
	s0 =	simm.s32 @p2 $0x1  }
0x17: {  	s4 =	simm.s32 $0x1BF5;
	[smem:$0x3FAF] =	sst s0  }
0x18: {  	s0 =	sld [smem:$0x3F92];
	_ =	swait.ge [sflag:s4], $0x0  }
0x19: {  	s7 =	sld [smem:$0x3F93]  }
0x1a: {  	s8 =	sadd.s32 $0xFFFFE003, lr  }
0x1b: {  	s9 =	sadd.s32 $0xFFFFFEF7, lr;
	s5 =	simm.s32 $0xFFFFFFFF;
	p2 =	slt.u32 s8, $0xFFFFF086  }
0x1c: {  	p1 =	slt.u32 s9, $0xF7A;
	s5 =	simm.s32 @!p2 $0x0  }
0x1d: {  	s5 =	simm.s32 @p1 $0x1;
	p0 =	seq.s32 s7, s2  }
0x1e: {  	s7 =	smul.u32 @!p0 $0xF7A, s2;
	p2 =	seq.s32 @!p0 s5, $0x0  }
0x1f: {  	s9 =	smul.u32 $0xF7A, s1;
	s8 =	simm.s32 @!p0 $0x1BF5;
	p2 =	por !p2, p0  }
0x20: {  	[sflag:s8] =	ssyncset.s32 @!p0 $0xFFFFF086;
	s6 =	sadd.s32 @!p0 s3, s7;
	s7 =	simm.s32 @!p0 $0x108  }
0x21: {  	s3 =	sadd.s32 s3, s9;
	s6 =	sadd.s32 @!p0 $0x88, s6;
	s7 =	simm.s32 @p2 $0x1082  }
0x22: {  	[simem:s7], [sflag:s8] =	dma.local @!p0 [hbm:s6], $0xF7A  }
0x23: {  	s9 =	sor.u32 $0xD0000000, s2;
	s6 =	simm.s32 $0x108;
	_ =	swait.ge @!p0 [sflag:s8], $0x0  }
0x24: {  	s3 =	sadd.s32 $0x88, s3;
	s6 =	simm.s32 @!p1 $0x1082;
	[sflag:s4] =	ssyncset.s32 $0xFFFFF086  }
0x25: {  	[simem:s6], [sflag:s4] =	dma.local [hbm:s3], $0xF7A  }
0x26: {  	[smem:$0x3F93] =	sst s1;
	(tag) =	ssettag s2;
	_ =	strace s9  }
0x27: {  	s1 =	sld [smem:$0x3FA3]  }
0x28: {  	s2 =	sld [smem:$0x3FA4]  }
0x29: {  	s4 =	sld [smem:$0x3FA6]  }
0x2a: {  	p0 =	seq.s32 s5, $0x0;
	s5 =	sld [smem:$0x3FA7]  }
0x2b: {  	s6 =	sld [smem:$0x3FA8]  }
0x2c: {  	s7 =	sld [smem:$0x3FA9]  }
0x2d: {  	s3 =	simm.s32 $0x108;
	s8 =	sld [smem:$0x3FAA]  }
0x2e: {  	s3 =	simm.s32 @!p0 $0x1082;
	s9 =	sld [smem:$0x3FAB]  }
0x2f: {  	lr =	sadd.s32 s0, s3;
	s0 =	sld [smem:$0x3FA2]  }
0x30: {  	s3 =	sld [smem:$0x3FA5]  }
0x31: {  	[smem:$0x3FAE] =	sst s10  }
0x32: {  	s10 =	sld [smem:$0x3FAC];
	_ =	sdelay $0x3  }
0x33: {  	p0 =	seq.s32 s10, $0x1;
	s10 =	sld [smem:$0x3FAE];
	_ =	sdelay $0x3  }
0x34: {  	[smem:$0x3FAE] =	sst s10  }
0x35: {  	s10 =	sld [smem:$0x3FAD];
	_ =	sdelay $0x3  }
0x36: {  	p1 =	seq.s32 s10, $0x1;
	s10 =	sld [smem:$0x3FAE];
	_ =	sdelay $0x3  }
0x37: {  	[smem:$0x3FAE] =	sst s10  }
0x38: {  	s10 =	sld [smem:$0x3FAF]  }
0x39: {  	_ = 	snop;
	(pc) =	sbr.ind lr, $3  }
0x3a: {  	_ = 	snop  }
0x3b: {  	_ = 	snop  }
0x3c: {  	p2 =	seq.s32 s10, $0x1;
	s10 =	sld [smem:$0x3FAE]  }
0x3d: {  	_ =	shalt  }
0x3e: {  	_ =	shalt  }
0x3f: {  	_ =	shalt  }
0x40: {  	_ =	shalt  }
0x41: {  	_ =	shalt  }
0x42: {  	_ =	shalt  }
0x43: {  	_ =	shalt  }
0x44: {  	_ =	shalt  }
0x45: {  	_ =	shalt  }
0x46: {  	_ =	shalt  }
0x47: {  	_ =	shalt  }
0x48: {  	_ =	shalt  }
0x49: {  	_ =	shalt  }
0x4a: {  	_ =	shalt  }
0x4b: {  	_ =	shalt  }
0x4c: {  	_ =	shalt  }
0x4d: {  	_ =	shalt  }
0x4e: {  	_ =	shalt  }
0x4f: {  	_ =	shalt  }
0x50: {  	_ =	shalt  }
0x51: {  	_ =	shalt  }
0x52: {  	_ =	shalt  }
0x53: {  	_ =	shalt  }
0x54: {  	_ =	shalt  }
0x55: {  	_ =	shalt  }
0x56: {  	_ =	shalt  }
0x57: {  	_ =	shalt  }
0x58: {  	_ =	shalt  }
0x59: {  	_ =	shalt  }
0x5a: {  	_ =	shalt  }
0x5b: {  	_ =	shalt  }
0x5c: {  	_ =	shalt  }
0x5d: {  	_ =	shalt  }
0x5e: {  	_ =	shalt  }
0x5f: {  	_ =	shalt  }
0x60: {  	_ =	shalt  }
0x61: {  	_ =	shalt  }
0x62: {  	_ =	shalt  }
0x63: {  	_ =	shalt  }
0x64: {  	_ =	shalt  }
0x65: {  	_ =	shalt  }
0x66: {  	_ =	shalt  }
0x67: {  	_ =	shalt  }
0x68: {  	_ =	shalt  }
0x69: {  	_ =	shalt  }
0x6a: {  	_ =	shalt  }
0x6b: {  	_ =	shalt  }
0x6c: {  	_ =	shalt  }
0x6d: {  	_ =	shalt  }
0x6e: {  	_ =	shalt  }
0x6f: {  	_ =	shalt  }
0x70: {  	_ =	shalt  }
0x71: {  	_ =	shalt  }
0x72: {  	_ =	shalt  }
0x73: {  	_ =	shalt  }
0x74: {  	_ =	shalt  }
0x75: {  	_ =	shalt  }
0x76: {  	_ =	shalt  }
0x77: {  	_ =	shalt  }
0x78: {  	_ =	shalt  }
0x79: {  	_ =	shalt  }
0x7a: {  	_ =	shalt  }
0x7b: {  	_ =	shalt  }
0x7c: {  	_ =	shalt  }
0x7d: {  	_ =	shalt  }
0x7e: {  	_ =	shalt  }
0x7f: {  	_ =	shalt  }
0x80: {  	_ =	shalt  }
0x81: {  	_ =	shalt  }
0x82: {  	_ =	shalt  }
0x83: {  	_ =	shalt  }
0x84: {  	_ =	shalt  }
0x85: {  	_ =	shalt  }
0x86: {  	_ =	shalt  }
0x87: {  	_ =	shalt  }
.Lfunc_end0:
.L_simem_size_0:
called_computation_lowered:
.L_overlay_start_0:
0x88: {  	s2 =	sld [smem:$0x3FD9]  }
0x89: {  	s3 =	sld [smem:$0x3FFE];
	_ =	sdelay $0x1  }
0x8a: {  	s1 =	srdreg.scid  }
0x8b: {  	s0 =	sand.u32 $0x1, s1  }
0x8c: {  	s16 =	sshll.u32 s0, $0xA;
	s2 =	sadd.s32 s3, s2  }
0x8d: {  	s2 =	sadd.s32 s2, s16  }
0x8e: {  	[smem:$0x3FBA] =	sst s2  }
0x8f: {  	_ = 	snop  }
0x90: {  	(tm) =	ssettm $0x1  }
0x91: {  	s17 =	sld [smem:$0x3FFB];
	_ =	sdelay $0x3  }
0x92: {  	_ =	strace s17  }
0x93: {  	s2 =	sld [smem:$0x3FFC];
	_ =	sdelay $0x3  }
0x94: {  	_ =	strace s2  }
0x95: {  	s2 =	sld [smem:$0x3FFD];
	_ =	sdelay $0x3  }
0x96: {  	_ =	strace s2  }
0x97: {  	_ =	strace $0x8FFFFFFF  }
0x98: {  	s18 =	sld [smem:$0x3FDB];
	_ =	sdelay $0x1  }
0x99: {  	s19 =	simm.s32 $_scs_section_size  }
0x9a: {  	s4 =	simm.s32 $_size__tile_overlayer_lowered;
	s5 =	simm.s32 $_tile_overlayer_lowered  }
0x9b: {  	s22 =	simm.s32 $0x1BFF;
	s21 =	sshll.u32 s5, $0x1;
	s2 =	sadd.s32 s19, s18  }
0x9c: {  	s6 =	simm.s32 $0x0;
	s20 =	sshll.u32 s4, $0x1;
	s4 =	sadd.s32 s21, s2  }
0x9d: {  	[timem:s6], [sflag:s22] =	dma.local [hbm:s4], s20  }
0x9e: {  	_ =	swait.ge [sflag:s22], s20  }
0x9f: {  	s3 =	ssub.s32 $0x0, s20;
	[sflag:s22] =	ssyncset.done $0x0  }
0xa0: {  	[sflag:s22] =	ssyncadd.s32 s3;
	_ =	sdelay $0x1  }
0xa1: {  	s23 =	simm.s32 $0x1B8B  }
0xa2: {  	_ =	swait.ge [sflag:s23], $0x1  }
0xa3: {  	[sflag:s23] =	ssyncset.done $0x0  }
0xa4: {  	s25 =	simm.s32 $0x1B8E;
	s24 =	sld [smem:$0x3FFE];
	[sflag:s23] =	ssyncadd.s32 $0xFFFFFFFF  }
0xa5: {  	s26 =	simm.s32 $execute0_lowered;
	[smem:$0x3FD2] =	sst s25  }
0xa6: {  	s4 =	sshll.u32 s26, $0x1;
	_ =	strace $0x80000046;
	[dreg:$0x1] =	wrdreg $0xFFFFFFFF  }
0xa7: {  	s28 =	simm.s32 $_size_execute0_lowered;
	s2 =	sadd.s32 s2, s4;
	[dreg:$0x0] =	wrdreg $0x0  }
0xa8: {  	s4 =	sshll.u32 s28, $0x1;
	[dreg:$0x2] =	wrdreg s2  }
0xa9: {  	[dreg:$0x3] =	wrdreg s4  }
0xaa: {  	[dreg:$0x4] =	wrdreg $0xC0  }
0xab: {  	_ =	task [dreg:s6], $0x5FFFF  }
0xac: {  	[dreg:$0x1] =	wrdreg $0xFFFFFFFF  }
0xad: {  	[dreg:$0x0] =	wrdreg $0x60  }
0xae: {  	[dreg:$0x2] =	wrdreg s24  }
0xaf: {  	[dreg:$0x3] =	wrdreg $0x90000  }
0xb0: {  	[dreg:$0x4] =	wrdreg $0x1D0000  }
0xb1: {  	[dreg:$0x5] =	wrdreg $0x9  }
0xb2: {  	_ =	task.clear_ibuf [dreg:s6], $0x6FFFF;
	_ =	strace $0x90000046  }
0xb3: {  	s29 =	simm.s32 $0x9;
	_ =	strace $0x80000048  }
0xb4: {  	_ =	swait.ge [sflag:s29], $0x1  }
0xb5: {  	[sflag:s29] =	ssyncadd.s32 $0xFFFFFFFF  }
0xb6: {  	_ =	strace $0x90000048  }
0xb7: {  	_ =	sfence  }
0xb8: {  	s30 =	sld [smem:$0x0];
	_ =	sdelay $0x2  }
0xb9: {  	s31 =	sshll.u32 s1, $0xD;
	s1 =	sshrl.u32 s1, $0x2  }
0xba: {  	s3 =	sand.u32 $0x4000, s31;
	s1 =	sadd.s32 s1, s30  }
0xbb: {  	s0 =	sor.u32 s3, s0;
	s1 =	sshll.u32 s1, $0x11  }
0xbc: {  	s0 =	sor.u32 s1, s0  }
0xbd: {  	s0 =	sadd.s32 $0x8F2B, s0  }
0xbe: {  	[sflag:s0] =	ssyncadd.remote.s32 $0x1  }
0xbf: {  	_ =	sfence.sel $0xFFFF  }
0xc0: {  	[dreg:$0x0] =	wrdreg $0xFFFFFFFF;
	(pc) =	sbr.abs _section_cstart, $3  }
0xc1: {  	[dreg:$0x1] =	wrdreg $0xFFFFFFFF  }
0xc2: {  	_ =	task.clear_ibuf [dreg:s6], $0x2FFFF;
	_ =	strace $0x9FFFFFFF  }
0xc3: {  	(tm) =	ssettm $0x7FFFFFFF  }
tec
execute0_lowered:
.L_overlay_start_1:
0x0: {  	(tag) =	ssettag $0x1  }
0x1: {  	s6 =	rddreg [dreg:$0x0]  }
0x2: {  	s1 =	srdreg.scid;
	s2 =	rddreg [dreg:$0x1]  }
0x3: {  	s0 =	stileid.u32;
	s3 =	rddreg [dreg:$0x2];
	s4 =	simm.s32 $0x0  }
0x4: {  	s17 =	simm.s32 $0x5000;
	s18 =	simm.s32 $0x2;
	s19 =	simm.s32 $0x1D280  }
0x5: {  	s20 =	simm.s32 $0x2800;
	s21 =	simm.s32 $0x80;
	s22 =	simm.s32 $0x1  }
0x6: {  	s23 =	simm.s32 $0x1D500;
	s7 =	sand.u32 $0x1, s1;
	s11 =	smul.u32 $0x280, s0  }
0x7: {  	s5 =	sshll.u32 s0, $0x1;
	s1 =	rddreg [dreg:$0x3];
	s12 =	smul.u32 $0x50000, s0  }
0x8: {  	[smem:$0x7FF] =	sst s4;
	s8 =	smul.u32 $0x2800, s7;
	s5 =	sor.u32 s7, s5  }
0x9: {  	_ =	strace $0x80000047;
	s7 =	ssub.s32 $0x2, s7;
	s9 =	smul.u32 $0x500, s5  }
0xa: {  	s5 =	sadd.s32 $0x16C00, s6;
	s30 =	sshrl.u32 s12, $0x2;
	s31 =	sshrl.u32 s7, $0x1  }
0xb: {  	s8 =	sadd.s32 s11, s8;
	s16 =	ssub.s32 s7, s31;
	s11 =	sadd.s32 s11, s3  }
0xc: {  	s10 =	sshll.u32 s8, $0x4;
	s13 =	sadd.s32 s9, s6;
	s8 =	sshrl.u32 s8, $0x3  }
0xd: {  	s16 =	smax.u32 s16, $0x1;
	s14 =	sadd.s32 s10, s6;
	s15 =	sadd.s32 s8, s6  }
0xe: {  	s6 =	sadd.s32 s30, s2;
	s12 =	sadd.s32 $0x2C00, s13;
	s13 =	sadd.s32 $0xCC00, s13  }
0xf: {  	s7 =	sadd.s32 $0x4000, s6;
	s8 =	sadd.s32 $0x8000, s6;
	s9 =	sadd.s32 $0xC000, s6  }
0x10: {  	v0 =	vimm.f32 $0.0e+00;
	v1 =	vimm.f32 $1.000000000e+00;
	s10 =	sadd.s32 $0x10000, s6;
	s14 =	sadd.s32 $0x3F600, s14;
	s15 =	sadd.s32 $0x3EC00, s15  }
.LBB2_1:
0x11: {  	s24 =	simm.s32 $0x0;
	s25 =	simm.s32 $0x200  }
.LBB2_2:
0x12: {  	p0 =	sne.s32 s25, $0xFE00;
	[tilespmem:s24+$0x5070] =	vst v0  }
0x13: {  	[tilespmem:s24+$0x5000] =	vst v0  }
0x14: {  	[tilespmem:s24+$0x5010] =	vst v0  }
.Ltmp0:
0x15: {  	[tilespmem:s24+$0x5020] =	vst v0;
	(pc) =	sbr.rel @p0 .LBB2_2-.Ltmp0, $4  }
0x16: {  	[tilespmem:s24+$0x5030] =	vst v0  }
0x17: {  	[tilespmem:s24+$0x5040] =	vst v0  }
0x18: {  	[tilespmem:s24+$0x5050] =	vst v0  }
0x19: {  	[tilespmem:s24+$0x5060] =	vst v0;
	s24 =	sshra.s32 s25, $0x2;
	s25 =	sadd.s32 $0x200, s25  }
0x1a: {  	[tilespmem:s24+$0x5070] =	vst v0  }
0x1b: {  	[tilespmem:s24+$0x5000] =	vst v0  }
0x1c: {  	[tilespmem:s24+$0x5010] =	vst v0  }
0x1d: {  	[tilespmem:s24+$0x5020] =	vst v0  }
0x1e: {  	[tilespmem:s24+$0x5030] =	vst v0  }
0x1f: {  	[tilespmem:s24+$0x5040] =	vst v0  }
0x20: {  	[tilespmem:s24+$0x5050] =	vst v0  }
0x21: {  	[tilespmem:s24+$0x5060] =	vst v0  }
0x22: {  	[spmem:s6] =	stream.linear.scatter [tilespmem:s17], [sflag:$0x2], $0x4000, $0x38;
	[tilespmem:$0x1D580] =	vst v63  }
0x23: {  	_ =	swait.ge [sflag:s18], $0x4000  }
0x24: {  	[sflag:s18] =	ssyncset.done $0x0  }
0x25: {  	[sflag:s18] =	ssyncadd.s32 $0xFFFFC000  }
0x26: {  	[spmem:s7] =	stream.linear.scatter [tilespmem:s17], [sflag:$0x2], $0x4000, $0x38;
	[tilespmem:$0x1D580] =	vst v63  }
0x27: {  	_ =	swait.ge [sflag:s18], $0x4000  }
0x28: {  	[sflag:s18] =	ssyncset.done $0x0  }
0x29: {  	[sflag:s18] =	ssyncadd.s32 $0xFFFFC000  }
0x2a: {  	[spmem:s8] =	stream.linear.scatter [tilespmem:s17], [sflag:$0x2], $0x4000, $0x38;
	[tilespmem:$0x1D580] =	vst v63  }
0x2b: {  	_ =	swait.ge [sflag:s18], $0x4000  }
0x2c: {  	[sflag:s18] =	ssyncset.done $0x0  }
0x2d: {  	[sflag:s18] =	ssyncadd.s32 $0xFFFFC000  }
0x2e: {  	[spmem:s9] =	stream.linear.scatter [tilespmem:s17], [sflag:$0x2], $0x4000, $0x38;
	[tilespmem:$0x1D580] =	vst v63  }
0x2f: {  	_ =	swait.ge [sflag:s18], $0x4000  }
0x30: {  	[sflag:s18] =	ssyncset.done $0x0  }
0x31: {  	[sflag:s18] =	ssyncadd.s32 $0xFFFFC000  }
0x32: {  	[spmem:s10] =	stream.linear.scatter [tilespmem:s17], [sflag:$0x2], $0x4000, $0x38;
	[tilespmem:$0x1D580] =	vst v63  }
0x33: {  	_ =	swait.ge [sflag:s18], $0x4000  }
0x34: {  	[sflag:s18] =	ssyncset.done $0x0  }
0x35: {  	[sflag:s18] =	ssyncadd.s32 $0xFFFFC000  }
0x36: {  	[tilespmem:$0x1D280] =	vst v0  }
0x37: {  	[tilespmem:$0x1D290] =	vst v0  }
0x38: {  	[tilespmem:$0x1D2A0] =	vst v0  }
0x39: {  	[tilespmem:$0x1D2B0] =	vst v0  }
0x3a: {  	[tilespmem:$0x1D2C0] =	vst v0  }
0x3b: {  	[tilespmem:$0x1D2D0] =	vst v0  }
0x3c: {  	[tilespmem:$0x1D2E0] =	vst v0  }
0x3d: {  	[tilespmem:$0x1D2F0] =	vst v0  }
0x3e: {  	[tilespmem:$0x1D300] =	vst v0  }
0x3f: {  	[tilespmem:$0x1D310] =	vst v0  }
0x40: {  	[tilespmem:$0x1D320] =	vst v0  }
0x41: {  	[tilespmem:$0x1D330] =	vst v0  }
0x42: {  	[tilespmem:$0x1D340] =	vst v0  }
0x43: {  	[tilespmem:$0x1D350] =	vst v0  }
0x44: {  	[tilespmem:$0x1D360] =	vst v0  }
0x45: {  	[tilespmem:$0x1D370] =	vst v0  }
0x46: {  	[tilespmem:$0x1D380] =	vst v0  }
0x47: {  	[tilespmem:$0x1D390] =	vst v0  }
0x48: {  	[tilespmem:$0x1D3A0] =	vst v0  }
0x49: {  	[tilespmem:$0x1D3B0] =	vst v0  }
0x4a: {  	[tilespmem:$0x1D3C0] =	vst v0  }
0x4b: {  	[tilespmem:$0x1D3D0] =	vst v0  }
0x4c: {  	[tilespmem:$0x1D3E0] =	vst v0  }
0x4d: {  	[tilespmem:$0x1D3F0] =	vst v0  }
0x4e: {  	[tilespmem:$0x1D400] =	vst v0  }
0x4f: {  	[tilespmem:$0x1D410] =	vst v0  }
0x50: {  	[tilespmem:$0x1D420] =	vst v0  }
0x51: {  	[tilespmem:$0x1D430] =	vst v0  }
0x52: {  	[tilespmem:$0x1D440] =	vst v0  }
0x53: {  	[tilespmem:$0x1D450] =	vst v0  }
0x54: {  	[tilespmem:$0x1D460] =	vst v0  }
0x55: {  	[tilespmem:$0x1D470] =	vst v0  }
0x56: {  	[tilespmem:$0x1D480] =	vst v0  }
0x57: {  	[tilespmem:$0x1D490] =	vst v0  }
0x58: {  	[tilespmem:$0x1D4A0] =	vst v0  }
0x59: {  	[tilespmem:$0x1D4B0] =	vst v0  }
0x5a: {  	[tilespmem:$0x1D4C0] =	vst v0  }
0x5b: {  	[tilespmem:$0x1D4D0] =	vst v0  }
0x5c: {  	[tilespmem:$0x1D4E0] =	vst v0  }
0x5d: {  	[tilespmem:$0x1D4F0] =	vst v0  }
0x5e: {  	[tilespmem:$0x1D500] =	vst v1  }
0x5f: {  	[tilespmem:$0x1D510] =	vst v1  }
0x60: {  	[tilespmem:$0x1D520] =	vst v1  }
0x61: {  	[tilespmem:$0x1D530] =	vst v1  }
0x62: {  	[tilespmem:$0x1D540] =	vst v1  }
0x63: {  	[tilespmem:$0x1D550] =	vst v1  }
0x64: {  	[tilespmem:$0x1D560] =	vst v1  }
0x65: {  	[tilespmem:$0x1D570] =	vst v1  }
0x66: {  	[spmem:s11] =	stream.linear.scatter [tilespmem:s19], [sflag:$0x2], $0x280, $0x38;
	[tilespmem:$0x1D580] =	vst v63  }
0x67: {  	_ =	swait.ge [sflag:s18], $0x280  }
0x68: {  	[sflag:s18] =	ssyncset.done $0x0  }
0x69: {  	s29 =	simm.s32 $0x0;
	[sflag:s18] =	ssyncadd.s32 $0xFFFFFD80  }
0x6a: {  	[tilespmem:s29], [sflag:$0x2] =	stream.linear.gather [hbm4b:s12+s29], $0x2800, $0x38;
	[tilespmem:$0x1D580] =	vst v63  }
0x6b: {  	_ =	swait.ge [sflag:s18], $0x2800  }
0x6c: {  	[sflag:s18] =	ssyncset.done $0x0  }
0x6d: {  	[sflag:s18] =	ssyncadd.s32 $0xFFFFD800  }
0x6e: {  	[tilespmem:s20], [sflag:$0x2] =	stream.linear.gather [hbm4b:s13+s29], $0x2800, $0x38;
	[tilespmem:$0x1D580] =	vst v63  }
0x6f: {  	_ =	swait.ge [sflag:s18], $0x2800  }
0x70: {  	[sflag:s18] =	ssyncset.done $0x0  }
0x71: {  	[sflag:s18] =	ssyncadd.s32 $0xFFFFD800  }
0x72: {  	s30 =	simm.s32 $0x0;
	[bflag:$0x0] =	sbarrier.arrive $0xFFFF  }
0x73: {  	[tilespmem:s17], [sflag:$0x1] =	stream.indirect.gather [hbm4b:s5+s21], $0x80, s30, s21, $0xb8;
	[tilespmem:$0x1D580] =	vst v63  }
0x74: {  	_ =	swait.ge [sflag:s22], $0x4000  }
0x75: {  	[sflag:s22] =	ssyncset.done $0x0  }
0x76: {  	s31 =	simm.s32 $0x2800;
	[sflag:s22] =	ssyncadd.s32 $0xFFFFC000  }
0x77: {  	[spmem:s2] =	stream.indirect.scatter.add.f32 [tilespmem:s17], [sflag:$0x2], $0x80, s31, s21, $0xb8;
	[tilespmem:$0x1D580] =	vst v63  }
0x78: {  	_ =	swait.ge [sflag:s18], $0x4000  }
0x79: {  	[sflag:s18] =	ssyncset.done $0x0  }
0x7a: {  	[sflag:s18] =	ssyncadd.s32 $0xFFFFC000  }
0x7b: {  	[spmem:s3] =	stream.indirect.scatter.add.f32 [tilespmem:s23], [sflag:$0x2], $0x1, s31, s21, $0xb8;
	[tilespmem:$0x1D580] =	vst v63  }
0x7c: {  	_ =	swait.ge [sflag:s18], $0x80  }
0x7d: {  	s24 =	simm.s32 $0x200;
	s25 =	simm.s32 $0x400;
	[sflag:s18] =	ssyncset.done $0x0  }
.LBB2_4:
0x7e: {  	s26 =	sshra.s32 s24, $0x2  }
0x7f: {  	[sflag:s18] =	ssyncadd.s32 $0xFFFFFF80;
	s24 =	smov.u32 s25;
	s28 =	sadd.s32 $0x200, s25  }
0x80: {  	[tilespmem:s17], [sflag:$0x1] =	stream.indirect.gather [hbm4b:s5+s21], $0x80, s26, s21, $0xb8;
	[tilespmem:$0x1D580] =	vst v63  }
0x81: {  	p0 =	sne.s32 s25, $0x9E00;
	_ =	swait.ge [sflag:s22], $0x4000  }
0x82: {  	[sflag:s22] =	ssyncset.done $0x0  }
0x83: {  	s25 =	sadd.s32 $0x2800, s26;
	[sflag:s22] =	ssyncadd.s32 $0xFFFFC000  }
0x84: {  	[spmem:s2] =	stream.indirect.scatter.add.f32 [tilespmem:s17], [sflag:$0x2], $0x80, s25, s21, $0xb8;
	[tilespmem:$0x1D580] =	vst v63  }
0x85: {  	_ =	swait.ge [sflag:s18], $0x4000  }
.Ltmp1:
0x86: {  	[sflag:s18] =	ssyncset.done $0x0;
	(pc) =	sbr.rel @p0 .LBB2_4-.Ltmp1, $4  }
0x87: {  	[sflag:s18] =	ssyncadd.s32 $0xFFFFC000  }
0x88: {  	[spmem:s3] =	stream.indirect.scatter.add.f32 [tilespmem:s23], [sflag:$0x2], $0x1, s25, s21, $0xb8;
	[tilespmem:$0x1D580] =	vst v63  }
0x89: {  	_ =	swait.ge [sflag:s18], $0x80  }
0x8a: {  	s25 =	smov.u32 s28;
	[sflag:s18] =	ssyncset.done $0x0  }
0x8b: {  	s24 =	sshra.s32 s24, $0x2;
	[sflag:s18] =	ssyncadd.s32 $0xFFFFFF80  }
0x8c: {  	[tilespmem:s17], [sflag:$0x1] =	stream.indirect.gather [hbm4b:s5+s21], $0x80, s24, s21, $0xb8;
	[tilespmem:$0x1D580] =	vst v63  }
0x8d: {  	_ =	swait.ge [sflag:s22], $0x4000  }
0x8e: {  	[sflag:s22] =	ssyncset.done $0x0  }
0x8f: {  	s24 =	sadd.s32 $0x2800, s24;
	[sflag:s22] =	ssyncadd.s32 $0xFFFFC000  }
0x90: {  	[spmem:s2] =	stream.indirect.scatter.add.f32 [tilespmem:s17], [sflag:$0x2], $0x80, s24, s21, $0xb8;
	[tilespmem:$0x1D580] =	vst v63  }
0x91: {  	_ =	swait.ge [sflag:s18], $0x4000  }
0x92: {  	[sflag:s18] =	ssyncset.done $0x0  }
0x93: {  	[sflag:s18] =	ssyncadd.s32 $0xFFFFC000  }
0x94: {  	[spmem:s3] =	stream.indirect.scatter.add.f32 [tilespmem:s23], [sflag:$0x2], $0x1, s24, s21, $0xb8;
	[tilespmem:$0x1D580] =	vst v63  }
0x95: {  	_ =	swait.ge [sflag:s18], $0x80  }
0x96: {  	[sflag:s18] =	ssyncset.done $0x0  }
0x97: {  	s30 =	sshll.u32 s0, $0x6;
	[sflag:s18] =	ssyncadd.s32 $0xFFFFFF80  }
0x98: {  	s25 =	sshrl.u32 s6, $0x3;
	s24 =	sor.u32 $0x1C02, s30;
	[bflag:$0x0] =	sbarrier.arrive $0xFFFF  }
0x99: {  	[hbm:s14], [sflag:s24] =	dma.local [spmem:s25], $0x2800  }
0x9a: {  	s4 =	sadd.s32 $0x1, s4;
	_ =	swait.ge [sflag:s18], $0x2800  }
0x9b: {  	p0 =	sne.s32 s4, s16;
	[sflag:s18] =	ssyncset.done $0x0  }
.Ltmp2:
0x9c: {  	s31 =	sshrl.u32 s11, $0x3;
	[sflag:s18] =	ssyncadd.s32 $0xFFFFD800;
	(pc) =	sbr.rel @p0 .LBB2_1-.Ltmp2, $4  }
0x9d: {  	[hbm:s15], [sflag:s24] =	dma.local [spmem:s31], $0x50  }
0x9e: {  	_ =	swait.ge [sflag:s18], $0x50  }
0x9f: {  	[sflag:s18] =	ssyncset.done $0x0  }
0xa0: {  	[sflag:s18] =	ssyncadd.s32 $0xFFFFFFB0  }
0xa1: {  	_ =	sfence.sel $0x180000  }
0xa2: {  	[bflag:$0x0] =	sbarrier.arrive $0xFFFF  }
0xa3: {  	p0 =	sne.s32 s0, $0x0;
	_ =	strace $0x90000047  }
0xa4: {  	s0 =	sadd.s32 @!p0 $0x100000, s1;
	[bflag:$0x2] =	sbarrier.arrive $0xFFFF  }
0xa5: {  	[sflag:s0] =	ssyncadd.tile.s32 @!p0 $0x1;
	_ =	shalt  }
.Lfunc_end2:
_tile_overlayer_lowered:
.L_overlay_start_2:
0xa6: {  	(tag) =	ssettag $0x2  }
0xa7: {  	s0 =	rddreg [dreg:$0x0];
	s2 =	stileid.u32  }
0xa8: {  	s1 =	rddreg [dreg:$0x1];
	p0 =	sne.s32 s2, $0x0  }
0xa9: {  	s3 =	rddreg [dreg:$0x2];
	[bflag:$0x3] =	sbarrier.arrive $0xFFFF;
	s2 =	simm.s32 @!p0 $0x1C02  }
0xaa: {  	[timem:s3], [sflag:s2] =	dma.local @!p0 [hbm:s0], s1  }
0xab: {  	s0 =	simm.s32 @!p0 $0x2  }
0xac: {  	_ =	swait.ge @!p0 [sflag:s0], s1  }
0xad: {  	s1 =	ssub.s32 @!p0 $0x0, s1;
	[sflag:s0] =	ssyncset.done @!p0 $0x0  }
0xae: {  	[sflag:s0] =	ssyncadd.s32 @!p0 s1  }
0xaf: {  	[bflag:$0x3] =	sbarrier.arrive $0xFFFF  }
0xb0: {  	_ =	shalt  }

</sc_bundles>
